<compile_context>
chip_gen: v7x
topology: tpu7x:2x2x1
jax: 0.10.2.dev20260603
libtpu: 0.0.44.dev20260713+nightly
codegen_flags: <defaults>
</compile_context>

<pallas_src>
import functools

import jax
import jax.numpy as jnp
from jax import lax
from jax.experimental import pallas as pl
from jax.experimental.pallas import tpu as pltpu
from jax.experimental.pallas import tpu_sc as plsc

N_NODES = 10000
N_EDGES = 320000
N_PAD = 10240
NC, NS, LANES = 2, 16, 16
NW = NC * NS
BLK = 128
CH = 80
E_PAD = NW * CH * BLK
NBUF = 4
ROW_SLAB = N_PAD // NS

_MESH = plsc.VectorSubcoreMesh(core_axis_name="c", subcore_axis_name="s")


def _agg_l0(ya, yb, src_p, dst_p):
    h = ya.shape[1]
    scratch = [
        pltpu.VMEM((CH, BLK), jnp.int32),
        pltpu.VMEM((CH, BLK), jnp.int32),
        pltpu.VMEM((BLK, h), jnp.float32),
        pltpu.VMEM_SHARED((N_PAD, h), jnp.float32),
        pltpu.VMEM_SHARED((N_PAD, h), jnp.float32),
        pltpu.SemaphoreType.DMA,
        pltpu.VMEM((BLK, LANES), jnp.float32),
        pltpu.VMEM_SHARED((N_PAD, LANES), jnp.float32),
    ]
    outs = [jax.ShapeDtypeStruct((NC, N_PAD, h), jnp.float32),
            jax.ShapeDtypeStruct((NC, N_PAD, h), jnp.float32),
            jax.ShapeDtypeStruct((NC, N_PAD, LANES), jnp.float32)]

    def body(ya_hbm, yb_hbm, src_hbm, dst_hbm, zacc_hbm, zdeg_hbm, ones_hbm,
             acca_out, accb_out, deg_out,
             src_v, dst_v, rows_v, acc_sh, y_sh, sem, ones_v, deg_sh):
        c = lax.axis_index("c")
        s = lax.axis_index("s")
        wid = s * NC + c
        rbase = s * ROW_SLAB
        pltpu.sync_copy(src_hbm.at[wid], src_v)
        pltpu.sync_copy(dst_hbm.at[wid], dst_v)
        pltpu.sync_copy(ones_hbm, ones_v)
        pltpu.sync_copy(zdeg_hbm.at[pl.ds(rbase, ROW_SLAB)],
                        deg_sh.at[pl.ds(rbase, ROW_SLAB)])

        def run_phase(y_hbm, acc_out, with_deg):
            pltpu.sync_copy(y_hbm.at[pl.ds(rbase, ROW_SLAB)],
                            y_sh.at[pl.ds(rbase, ROW_SLAB)])
            pltpu.sync_copy(zacc_hbm.at[pl.ds(rbase, ROW_SLAB)],
                            acc_sh.at[pl.ds(rbase, ROW_SLAB)])
            plsc.subcore_barrier()

            def step(j, carry):
                pltpu.async_copy(y_sh.at[src_v.at[j]], rows_v, sem).wait()
                pltpu.sync_copy(rows_v, acc_sh.at[dst_v.at[j]], add=True)
                if with_deg:
                    pltpu.sync_copy(ones_v, deg_sh.at[dst_v.at[j]], add=True)
                return carry
            lax.fori_loop(0, CH, step, 0)

            plsc.subcore_barrier()
            pltpu.sync_copy(acc_sh.at[pl.ds(rbase, ROW_SLAB)],
                            acc_out.at[c].at[pl.ds(rbase, ROW_SLAB)])
            if with_deg:
                pltpu.sync_copy(deg_sh.at[pl.ds(rbase, ROW_SLAB)],
                                deg_out.at[c].at[pl.ds(rbase, ROW_SLAB)])

        run_phase(ya_hbm, acca_out, True)
        run_phase(yb_hbm, accb_out, False)

    kern = pl.kernel(body, out_type=tuple(outs), mesh=_MESH,
                     scratch_types=scratch,
                     compiler_params=pltpu.CompilerParams(
                         use_tc_tiling_on_sc=False))
    return kern(ya, yb, src_p, dst_p,
                jnp.zeros((N_PAD, h), jnp.float32),
                jnp.zeros((N_PAD, LANES), jnp.float32),
                jnp.ones((BLK, LANES), jnp.float32))


def _agg_call(y, src_p, dst_p, with_deg):
    dout = y.shape[1]
    scratch = [
        pltpu.VMEM((CH, BLK), jnp.int32),
        pltpu.VMEM((CH, BLK), jnp.int32),
        pltpu.VMEM((BLK, dout), jnp.float32),
        pltpu.VMEM_SHARED((N_PAD, dout), jnp.float32),
        pltpu.VMEM_SHARED((N_PAD, dout), jnp.float32),
        pltpu.SemaphoreType.DMA,
    ]
    outs = [jax.ShapeDtypeStruct((NC, N_PAD, dout), jnp.float32)]
    if with_deg:
        scratch += [
            pltpu.VMEM((BLK, LANES), jnp.float32),
            pltpu.VMEM_SHARED((N_PAD, LANES), jnp.float32),
        ]
        outs += [jax.ShapeDtypeStruct((NC, N_PAD, LANES), jnp.float32)]

    def body(*refs):
        if with_deg:
            (y_hbm, src_hbm, dst_hbm, zacc_hbm, zdeg_hbm, ones_hbm,
             acc_out, deg_out,
             src_v, dst_v, rows_v, acc_sh, y_sh, sem, ones_v, deg_sh) = refs
        else:
            (y_hbm, src_hbm, dst_hbm, zacc_hbm,
             acc_out,
             src_v, dst_v, rows_v, acc_sh, y_sh, sem) = refs
        c = lax.axis_index("c")
        s = lax.axis_index("s")
        wid = s * NC + c
        rbase = s * ROW_SLAB
        pltpu.sync_copy(src_hbm.at[wid], src_v)
        pltpu.sync_copy(dst_hbm.at[wid], dst_v)
        pltpu.sync_copy(y_hbm.at[pl.ds(rbase, ROW_SLAB)],
                        y_sh.at[pl.ds(rbase, ROW_SLAB)])
        pltpu.sync_copy(zacc_hbm.at[pl.ds(rbase, ROW_SLAB)],
                        acc_sh.at[pl.ds(rbase, ROW_SLAB)])
        if with_deg:
            pltpu.sync_copy(zdeg_hbm.at[pl.ds(rbase, ROW_SLAB)],
                            deg_sh.at[pl.ds(rbase, ROW_SLAB)])
            pltpu.sync_copy(ones_hbm, ones_v)
        plsc.subcore_barrier()

        def step(j, carry):
            pltpu.async_copy(y_sh.at[src_v.at[j]], rows_v, sem).wait()
            pltpu.sync_copy(rows_v, acc_sh.at[dst_v.at[j]], add=True)
            if with_deg:
                pltpu.sync_copy(ones_v, deg_sh.at[dst_v.at[j]], add=True)
            return carry
        lax.fori_loop(0, CH, step, 0)

        plsc.subcore_barrier()
        pltpu.sync_copy(acc_sh.at[pl.ds(rbase, ROW_SLAB)],
                        acc_out.at[c].at[pl.ds(rbase, ROW_SLAB)])
        if with_deg:
            pltpu.sync_copy(deg_sh.at[pl.ds(rbase, ROW_SLAB)],
                            deg_out.at[c].at[pl.ds(rbase, ROW_SLAB)])

    kern = pl.kernel(body, out_type=tuple(outs), mesh=_MESH,
                     scratch_types=scratch,
                     compiler_params=pltpu.CompilerParams(
                         use_tc_tiling_on_sc=False))
    args = [y, src_p, dst_p, jnp.zeros((N_PAD, dout), jnp.float32)]
    if with_deg:
        args += [jnp.zeros((N_PAD, LANES), jnp.float32),
                 jnp.ones((BLK, LANES), jnp.float32)]
    return kern(*args)


_R = 2048


def _tc_first(x, wl, wr, bl):
    din, dout = wl.shape

    def body(x_ref, wl_ref, wr_ref, bl_ref, y_ref, r_ref):
        xb = x_ref[...]
        y_ref[...] = jnp.dot(xb, wl_ref[...], preferred_element_type=jnp.float32)
        r_ref[...] = jnp.dot(xb, wr_ref[...], preferred_element_type=jnp.float32) + bl_ref[...]

    return pl.pallas_call(
        body,
        grid=(N_PAD // _R,),
        in_specs=[
            pl.BlockSpec((_R, din), lambda i: (i, 0)),
            pl.BlockSpec((din, dout), lambda i: (0, 0)),
            pl.BlockSpec((din, dout), lambda i: (0, 0)),
            pl.BlockSpec((1, dout), lambda i: (0, 0)),
        ],
        out_specs=[
            pl.BlockSpec((_R, dout), lambda i: (i, 0)),
            pl.BlockSpec((_R, dout), lambda i: (i, 0)),
        ],
        out_shape=[jax.ShapeDtypeStruct((N_PAD, dout), jnp.float32)] * 2,
    )(x, wl, wr, bl)


def _tc_combine(aggps, degp, r, wl, wr, bl):
    din, dout = wl.shape
    widths = [a.shape[2] for a in aggps]

    def body(*refs):
        a_refs = refs[:len(widths)]
        d_ref, r_ref, wl_ref, wr_ref, bl_ref, y_ref, r2_ref = refs[len(widths):]
        a = jnp.concatenate([ar[0] + ar[1] for ar in a_refs], axis=-1)
        deg = d_ref[0] + d_ref[1]
        inv = 1.0 / jnp.maximum(deg[:, 0:1], 1.0)
        h = a * inv + r_ref[...]
        x = 0.5 * h * (1.0 + lax.erf(h * 0.7071067811865476))
        y_ref[...] = jnp.dot(x, wl_ref[...], preferred_element_type=jnp.float32)
        r2_ref[...] = jnp.dot(x, wr_ref[...], preferred_element_type=jnp.float32) + bl_ref[...]

    return pl.pallas_call(
        body,
        grid=(N_PAD // _R,),
        in_specs=[pl.BlockSpec((NC, _R, w), lambda i: (0, i, 0))
                  for w in widths] + [
            pl.BlockSpec((NC, _R, LANES), lambda i: (0, i, 0)),
            pl.BlockSpec((_R, din), lambda i: (i, 0)),
            pl.BlockSpec((din, dout), lambda i: (0, 0)),
            pl.BlockSpec((din, dout), lambda i: (0, 0)),
            pl.BlockSpec((1, dout), lambda i: (0, 0)),
        ],
        out_specs=[
            pl.BlockSpec((_R, dout), lambda i: (i, 0)),
            pl.BlockSpec((_R, dout), lambda i: (i, 0)),
        ],
        out_shape=[jax.ShapeDtypeStruct((N_PAD, dout), jnp.float32)] * 2,
    )(*aggps, degp, r, wl, wr, bl)


def _tc_final(aggp, degp, r):
    dout = r.shape[1]

    def body(a_ref, d_ref, r_ref, o_ref):
        a = a_ref[0] + a_ref[1]
        deg = d_ref[0] + d_ref[1]
        inv = 1.0 / jnp.maximum(deg[:, 0:1], 1.0)
        o_ref[...] = a * inv + r_ref[...]

    return pl.pallas_call(
        body,
        grid=(N_PAD // _R,),
        in_specs=[
            pl.BlockSpec((NC, _R, dout), lambda i: (0, i, 0)),
            pl.BlockSpec((NC, _R, LANES), lambda i: (0, i, 0)),
            pl.BlockSpec((_R, dout), lambda i: (i, 0)),
        ],
        out_specs=pl.BlockSpec((_R, dout), lambda i: (i, 0)),
        out_shape=jax.ShapeDtypeStruct((N_PAD, dout), jnp.float32),
    )(aggp, degp, r)


def kernel(features, edges, Wl0, bl0, Wr0, Wl1, bl1, Wr1,
           Wl2, bl2, Wr2, Wl3, bl3, Wr3):
    f32 = jnp.float32
    src = edges[0].astype(jnp.int32)
    dst = edges[1].astype(jnp.int32)
    src_p = jnp.concatenate(
        [src, jnp.zeros((E_PAD - N_EDGES,), jnp.int32)]).reshape(NW, CH, BLK)
    dst_p = jnp.concatenate(
        [dst, jnp.full((E_PAD - N_EDGES,), N_NODES, jnp.int32)]).reshape(NW, CH, BLK)
    x = jnp.pad(features, ((0, N_PAD - N_NODES), (0, 0)))

    Wl3p = jnp.pad(Wl3, ((0, 0), (0, LANES - 3)))
    Wr3p = jnp.pad(Wr3, ((0, 0), (0, LANES - 3)))
    bl3p = jnp.pad(bl3, ((0, LANES - 3),))

    y, r = _tc_first(x, Wl0, Wr0, bl0.reshape(1, -1))
    aggpa, aggpb, degp = _agg_l0(y[:, :48], y[:, 48:], src_p, dst_p)
    y, r = _tc_combine([aggpa, aggpb], degp, r, Wl1, Wr1, bl1.reshape(1, -1))
    aggp, = _agg_call(y, src_p, dst_p, False)
    y, r = _tc_combine([aggp], degp, r, Wl2, Wr2, bl2.reshape(1, -1))
    aggp, = _agg_call(y, src_p, dst_p, False)
    y, r = _tc_combine([aggp], degp, r, Wl3p, Wr3p, bl3p.reshape(1, -1))
    aggp, = _agg_call(y, src_p, dst_p, False)
    out = _tc_final(aggp, degp, r)
    return out[:N_NODES, :3]

# --- scband reference (transcript-rebuilt; emitter-appended) ---
"""Pipeline reference for scband-feature2-vertex-layer-38362647887989 (READ-ONLY COPY).

The authoritative reference and input builder live on the scoring server;
editing this copy changes nothing except your own understanding.
"""

import jax, jax.numpy as jnp
import numpy as np

N_NODES = 10000
N_EDGES = 320000

# Layer dims from in_features=128, hidden_layer_count=4:
# loop i=4,3,2 -> SAGEConv(128,96), SAGEConv(96,64), SAGEConv(64,32); last SAGEConv(32,3)
LAYER_DIMS = [(128, 96), (96, 64), (64, 32), (32, 3)]


def sage_conv(x, src, dst, Wl, bl, Wr):
    # PyG SAGEConv (aggr='mean', root_weight=True):
    # out = lin_l(mean_{j in N(i)} x_j) + lin_r(x_i); bias lives in lin_l
    msgs = x[src]  # gather source node features, [E, d_in]
    agg = jax.ops.segment_sum(msgs, dst, num_segments=x.shape[0])
    deg = jax.ops.segment_sum(jnp.ones((src.shape[0],), dtype=x.dtype), dst, num_segments=x.shape[0])
    mean = agg / jnp.clip(deg, 1.0)[:, None]
    return mean @ Wl + bl + x @ Wr


def setup_inputs(seed: int = 0) -> dict:
    key = jax.random.key(seed)
    ks = jax.random.split(key, 2 + 3 * len(LAYER_DIMS))
    inp = {}
    inp['features'] = jax.random.normal(ks[0], (N_NODES, 128), dtype=jnp.float32)
    inp['edges'] = jax.random.randint(ks[1], (2, N_EDGES), 0, N_NODES, dtype=jnp.int64)
    kidx = 2
    for li, (din, dout) in enumerate(LAYER_DIMS):
        scale = 1.0 / np.sqrt(din)
        inp[f'Wl{li}'] = jax.random.uniform(ks[kidx], (din, dout), dtype=jnp.float32, minval=-scale, maxval=scale)
        inp[f'bl{li}'] = jax.random.uniform(ks[kidx + 1], (dout,), dtype=jnp.float32, minval=-scale, maxval=scale)
        inp[f'Wr{li}'] = jax.random.uniform(ks[kidx + 2], (din, dout), dtype=jnp.float32, minval=-scale, maxval=scale)
        kidx += 3
    return inp


def reference(features, edges, Wl0, bl0, Wr0, Wl1, bl1, Wr1, Wl2, bl2, Wr2, Wl3, bl3, Wr3):
    src = edges[0]
    dst = edges[1]
    x = features
    hidden = [(Wl0, bl0, Wr0), (Wl1, bl1, Wr1), (Wl2, bl2, Wr2)]
    for (Wl, bl, Wr) in hidden:
        x = jax.nn.gelu(sage_conv(x, src, dst, Wl, bl, Wr), approximate=False)
    out = sage_conv(x, src, dst, Wl3, bl3, Wr3)
    return out


if False:  # reference __main__ guard neutralized (emitter)
    out = reference(**setup_inputs())
    print(out.shape)

if __name__ == "__main__":
    import jax
    _d = setup_inputs()
    print(jax.jit(kernel)(*tuple(_d.values())))

</pallas_src>

<mosaic_0001>
#map = affine_map<(d0, d1) -> (0, 0)>
#map1 = affine_map<(d0, d1) -> (0, 0, 0)>
module attributes {stable_mosaic.version = 14 : i64} {
  func.func @body(%arg0: i32, %arg1: i32, %arg2: memref<10240x48xf32, #tpu.memory_space<hbm>>, %arg3: memref<10240x48xf32, #tpu.memory_space<hbm>>, %arg4: memref<32x80x128xi32, #tpu.memory_space<hbm>>, %arg5: memref<32x80x128xi32, #tpu.memory_space<hbm>>, %arg6: memref<10240x48xf32, #tpu.memory_space<hbm>>, %arg7: memref<10240x16xf32, #tpu.memory_space<hbm>>, %arg8: memref<128x16xf32, #tpu.memory_space<hbm>>, %arg9: memref<2x10240x48xf32, #tpu.memory_space<hbm>>, %arg10: memref<2x10240x48xf32, #tpu.memory_space<hbm>>, %arg11: memref<2x10240x16xf32, #tpu.memory_space<hbm>>, %arg12: memref<80x128xi32, #tpu.memory_space<vmem>>, %arg13: memref<80x128xi32, #tpu.memory_space<vmem>>, %arg14: memref<128x48xf32, #tpu.memory_space<vmem>>, %arg15: memref<10240x48xf32, #tpu.memory_space<vmem_shared>>, %arg16: memref<10240x48xf32, #tpu.memory_space<vmem_shared>>, %arg17: memref<!tpu.dma_semaphore, #tpu.memory_space<semaphore_mem>>, %arg18: memref<128x16xf32, #tpu.memory_space<vmem>>, %arg19: memref<10240x16xf32, #tpu.memory_space<vmem_shared>>) attributes {dimension_semantics = [#tpu.dimension_semantics<core_parallel>, #tpu.dimension_semantics<subcore_parallel>], iteration_bounds = array<i64: 2, 16>, scalar_prefetch = 0 : i64, scratch_operands = 8 : i64, tpu.core_type = #tpu.core_type<sc_vector_subcore>, window_params = [{transform_indices = #map}, {transform_indices = #map}, {transform_indices = #map1}, {transform_indices = #map1}, {transform_indices = #map}, {transform_indices = #map}, {transform_indices = #map}, {transform_indices = #map1}, {transform_indices = #map1}, {transform_indices = #map1}]} {
    %mul3A = arith.constant 2 : i32
    %mul3A_0 = arith.muli %arg1, %mul3A : i32
    %add3A = arith.addi %mul3A_0, %arg0 : i32
    %mul3A_1 = arith.constant 640 : i32
    %mul3A_2 = arith.muli %arg1, %mul3A_1 : i32
    "tpu.region"() ({
      %run_scoped3A = tpu.sem_alloc : memref<!tpu.dma_semaphore, #tpu.memory_space<semaphore_mem>>
      %dma_start3A = arith.constant 0 : i32
      %dma_start3A_17 = arith.constant 0 : i32
      %dma_start3A_18 = tpu.memref_slice %arg4[%add3A, %dma_start3A, %dma_start3A_17] : memref<32x80x128xi32, #tpu.memory_space<hbm>> -> memref<1x80x128xi32, #tpu.memory_space<hbm>>
      %dma_start3A_19 = tpu.memref_squeeze %dma_start3A_18 : memref<1x80x128xi32, #tpu.memory_space<hbm>> -> memref<80x128xi32, #tpu.memory_space<hbm>>
      %dma_start3A_20 = arith.constant 0 : i32
      %dma_start3A_21 = arith.constant 0 : i32
      %dma_start3A_22 = tpu.memref_slice %arg4[%add3A, %dma_start3A_20, %dma_start3A_21] : memref<32x80x128xi32, #tpu.memory_space<hbm>> -> memref<1x80x128xi32, #tpu.memory_space<hbm>>
      %dma_start3A_23 = tpu.memref_squeeze %dma_start3A_22 : memref<1x80x128xi32, #tpu.memory_space<hbm>> -> memref<80x128xi32, #tpu.memory_space<hbm>>
      tpu.enqueue_dma source(%dma_start3A_23 : memref<80x128xi32, #tpu.memory_space<hbm>>) target(%arg12 : memref<80x128xi32, #tpu.memory_space<vmem>>) target_semaphore(%run_scoped3A : memref<!tpu.dma_semaphore, #tpu.memory_space<semaphore_mem>>)
      %dma_wait3A = arith.constant 0 : i32
      %dma_wait3A_24 = arith.constant 0 : i32
      %dma_wait3A_25 = tpu.memref_slice %arg4[%add3A, %dma_wait3A, %dma_wait3A_24] : memref<32x80x128xi32, #tpu.memory_space<hbm>> -> memref<1x80x128xi32, #tpu.memory_space<hbm>>
      %dma_wait3A_26 = tpu.memref_squeeze %dma_wait3A_25 : memref<1x80x128xi32, #tpu.memory_space<hbm>> -> memref<80x128xi32, #tpu.memory_space<hbm>>
      %dma_wait3A_27 = arith.constant 0 : i32
      %dma_wait3A_28 = arith.constant 0 : i32
      %dma_wait3A_29 = tpu.memref_slice %arg4[%add3A, %dma_wait3A_27, %dma_wait3A_28] : memref<32x80x128xi32, #tpu.memory_space<hbm>> -> memref<1x80x128xi32, #tpu.memory_space<hbm>>
      %dma_wait3A_30 = tpu.memref_squeeze %dma_wait3A_29 : memref<1x80x128xi32, #tpu.memory_space<hbm>> -> memref<80x128xi32, #tpu.memory_space<hbm>>
      tpu.wait_dma2 semaphore(%run_scoped3A : memref<!tpu.dma_semaphore, #tpu.memory_space<semaphore_mem>>) src(%dma_wait3A_30 : memref<80x128xi32, #tpu.memory_space<hbm>>) dst(%arg12 : memref<80x128xi32, #tpu.memory_space<vmem>>)
      tpu.yield
    }) : () -> ()
    "tpu.region"() ({
      %run_scoped3A = tpu.sem_alloc : memref<!tpu.dma_semaphore, #tpu.memory_space<semaphore_mem>>
      %dma_start3A = arith.constant 0 : i32
      %dma_start3A_17 = arith.constant 0 : i32
      %dma_start3A_18 = tpu.memref_slice %arg5[%add3A, %dma_start3A, %dma_start3A_17] : memref<32x80x128xi32, #tpu.memory_space<hbm>> -> memref<1x80x128xi32, #tpu.memory_space<hbm>>
      %dma_start3A_19 = tpu.memref_squeeze %dma_start3A_18 : memref<1x80x128xi32, #tpu.memory_space<hbm>> -> memref<80x128xi32, #tpu.memory_space<hbm>>
      %dma_start3A_20 = arith.constant 0 : i32
      %dma_start3A_21 = arith.constant 0 : i32
      %dma_start3A_22 = tpu.memref_slice %arg5[%add3A, %dma_start3A_20, %dma_start3A_21] : memref<32x80x128xi32, #tpu.memory_space<hbm>> -> memref<1x80x128xi32, #tpu.memory_space<hbm>>
      %dma_start3A_23 = tpu.memref_squeeze %dma_start3A_22 : memref<1x80x128xi32, #tpu.memory_space<hbm>> -> memref<80x128xi32, #tpu.memory_space<hbm>>
      tpu.enqueue_dma source(%dma_start3A_23 : memref<80x128xi32, #tpu.memory_space<hbm>>) target(%arg13 : memref<80x128xi32, #tpu.memory_space<vmem>>) target_semaphore(%run_scoped3A : memref<!tpu.dma_semaphore, #tpu.memory_space<semaphore_mem>>)
      %dma_wait3A = arith.constant 0 : i32
      %dma_wait3A_24 = arith.constant 0 : i32
      %dma_wait3A_25 = tpu.memref_slice %arg5[%add3A, %dma_wait3A, %dma_wait3A_24] : memref<32x80x128xi32, #tpu.memory_space<hbm>> -> memref<1x80x128xi32, #tpu.memory_space<hbm>>
      %dma_wait3A_26 = tpu.memref_squeeze %dma_wait3A_25 : memref<1x80x128xi32, #tpu.memory_space<hbm>> -> memref<80x128xi32, #tpu.memory_space<hbm>>
      %dma_wait3A_27 = arith.constant 0 : i32
      %dma_wait3A_28 = arith.constant 0 : i32
      %dma_wait3A_29 = tpu.memref_slice %arg5[%add3A, %dma_wait3A_27, %dma_wait3A_28] : memref<32x80x128xi32, #tpu.memory_space<hbm>> -> memref<1x80x128xi32, #tpu.memory_space<hbm>>
      %dma_wait3A_30 = tpu.memref_squeeze %dma_wait3A_29 : memref<1x80x128xi32, #tpu.memory_space<hbm>> -> memref<80x128xi32, #tpu.memory_space<hbm>>
      tpu.wait_dma2 semaphore(%run_scoped3A : memref<!tpu.dma_semaphore, #tpu.memory_space<semaphore_mem>>) src(%dma_wait3A_30 : memref<80x128xi32, #tpu.memory_space<hbm>>) dst(%arg13 : memref<80x128xi32, #tpu.memory_space<vmem>>)
      tpu.yield
    }) : () -> ()
    "tpu.region"() ({
      %run_scoped3A = tpu.sem_alloc : memref<!tpu.dma_semaphore, #tpu.memory_space<semaphore_mem>>
      tpu.enqueue_dma source(%arg8 : memref<128x16xf32, #tpu.memory_space<hbm>>) target(%arg18 : memref<128x16xf32, #tpu.memory_space<vmem>>) target_semaphore(%run_scoped3A : memref<!tpu.dma_semaphore, #tpu.memory_space<semaphore_mem>>)
      tpu.wait_dma2 semaphore(%run_scoped3A : memref<!tpu.dma_semaphore, #tpu.memory_space<semaphore_mem>>) src(%arg8 : memref<128x16xf32, #tpu.memory_space<hbm>>) dst(%arg18 : memref<128x16xf32, #tpu.memory_space<vmem>>)
      tpu.yield
    }) : () -> ()
    "tpu.region"() ({
      %run_scoped3A = tpu.sem_alloc : memref<!tpu.dma_semaphore, #tpu.memory_space<semaphore_mem>>
      %dma_start3A = arith.constant 0 : i32
      %dma_start3A_17 = tpu.memref_slice %arg19[%mul3A_2, %dma_start3A] : memref<10240x16xf32, #tpu.memory_space<vmem_shared>> -> memref<640x16xf32, #tpu.memory_space<vmem_shared>>
      %dma_start3A_18 = arith.constant 0 : i32
      %dma_start3A_19 = tpu.memref_slice %arg7[%mul3A_2, %dma_start3A_18] : memref<10240x16xf32, #tpu.memory_space<hbm>> -> memref<640x16xf32, #tpu.memory_space<hbm>>
      tpu.enqueue_dma source(%dma_start3A_19 : memref<640x16xf32, #tpu.memory_space<hbm>>) target(%dma_start3A_17 : memref<640x16xf32, #tpu.memory_space<vmem_shared>>) target_semaphore(%run_scoped3A : memref<!tpu.dma_semaphore, #tpu.memory_space<semaphore_mem>>)
      %dma_wait3A = arith.constant 0 : i32
      %dma_wait3A_20 = tpu.memref_slice %arg19[%mul3A_2, %dma_wait3A] : memref<10240x16xf32, #tpu.memory_space<vmem_shared>> -> memref<640x16xf32, #tpu.memory_space<vmem_shared>>
      %dma_wait3A_21 = arith.constant 0 : i32
      %dma_wait3A_22 = tpu.memref_slice %arg7[%mul3A_2, %dma_wait3A_21] : memref<10240x16xf32, #tpu.memory_space<hbm>> -> memref<640x16xf32, #tpu.memory_space<hbm>>
      tpu.wait_dma2 semaphore(%run_scoped3A : memref<!tpu.dma_semaphore, #tpu.memory_space<semaphore_mem>>) src(%dma_wait3A_22 : memref<640x16xf32, #tpu.memory_space<hbm>>) dst(%dma_wait3A_20 : memref<640x16xf32, #tpu.memory_space<vmem_shared>>)
      tpu.yield
    }) : () -> ()
    "tpu.region"() ({
      %run_scoped3A = tpu.sem_alloc : memref<!tpu.dma_semaphore, #tpu.memory_space<semaphore_mem>>
      %dma_start3A = arith.constant 0 : i32
      %dma_start3A_17 = tpu.memref_slice %arg16[%mul3A_2, %dma_start3A] : memref<10240x48xf32, #tpu.memory_space<vmem_shared>> -> memref<640x48xf32, #tpu.memory_space<vmem_shared>>
      %dma_start3A_18 = arith.constant 0 : i32
      %dma_start3A_19 = tpu.memref_slice %arg2[%mul3A_2, %dma_start3A_18] : memref<10240x48xf32, #tpu.memory_space<hbm>> -> memref<640x48xf32, #tpu.memory_space<hbm>>
      tpu.enqueue_dma source(%dma_start3A_19 : memref<640x48xf32, #tpu.memory_space<hbm>>) target(%dma_start3A_17 : memref<640x48xf32, #tpu.memory_space<vmem_shared>>) target_semaphore(%run_scoped3A : memref<!tpu.dma_semaphore, #tpu.memory_space<semaphore_mem>>)
      %dma_wait3A = arith.constant 0 : i32
      %dma_wait3A_20 = tpu.memref_slice %arg16[%mul3A_2, %dma_wait3A] : memref<10240x48xf32, #tpu.memory_space<vmem_shared>> -> memref<640x48xf32, #tpu.memory_space<vmem_shared>>
      %dma_wait3A_21 = arith.constant 0 : i32
      %dma_wait3A_22 = tpu.memref_slice %arg2[%mul3A_2, %dma_wait3A_21] : memref<10240x48xf32, #tpu.memory_space<hbm>> -> memref<640x48xf32, #tpu.memory_space<hbm>>
      tpu.wait_dma2 semaphore(%run_scoped3A : memref<!tpu.dma_semaphore, #tpu.memory_space<semaphore_mem>>) src(%dma_wait3A_22 : memref<640x48xf32, #tpu.memory_space<hbm>>) dst(%dma_wait3A_20 : memref<640x48xf32, #tpu.memory_space<vmem_shared>>)
      tpu.yield
    }) : () -> ()
    "tpu.region"() ({
      %run_scoped3A = tpu.sem_alloc : memref<!tpu.dma_semaphore, #tpu.memory_space<semaphore_mem>>
      %dma_start3A = arith.constant 0 : i32
      %dma_start3A_17 = tpu.memref_slice %arg15[%mul3A_2, %dma_start3A] : memref<10240x48xf32, #tpu.memory_space<vmem_shared>> -> memref<640x48xf32, #tpu.memory_space<vmem_shared>>
      %dma_start3A_18 = arith.constant 0 : i32
      %dma_start3A_19 = tpu.memref_slice %arg6[%mul3A_2, %dma_start3A_18] : memref<10240x48xf32, #tpu.memory_space<hbm>> -> memref<640x48xf32, #tpu.memory_space<hbm>>
      tpu.enqueue_dma source(%dma_start3A_19 : memref<640x48xf32, #tpu.memory_space<hbm>>) target(%dma_start3A_17 : memref<640x48xf32, #tpu.memory_space<vmem_shared>>) target_semaphore(%run_scoped3A : memref<!tpu.dma_semaphore, #tpu.memory_space<semaphore_mem>>)
      %dma_wait3A = arith.constant 0 : i32
      %dma_wait3A_20 = tpu.memref_slice %arg15[%mul3A_2, %dma_wait3A] : memref<10240x48xf32, #tpu.memory_space<vmem_shared>> -> memref<640x48xf32, #tpu.memory_space<vmem_shared>>
      %dma_wait3A_21 = arith.constant 0 : i32
      %dma_wait3A_22 = tpu.memref_slice %arg6[%mul3A_2, %dma_wait3A_21] : memref<10240x48xf32, #tpu.memory_space<hbm>> -> memref<640x48xf32, #tpu.memory_space<hbm>>
      tpu.wait_dma2 semaphore(%run_scoped3A : memref<!tpu.dma_semaphore, #tpu.memory_space<semaphore_mem>>) src(%dma_wait3A_22 : memref<640x48xf32, #tpu.memory_space<hbm>>) dst(%dma_wait3A_20 : memref<640x48xf32, #tpu.memory_space<vmem_shared>>)
      tpu.yield
    }) : () -> ()
    %barrier3A = arith.constant 0 : index
    tpu.barrier barrier_id(%barrier3A)
    %scan3A = arith.constant 0 : i32
    %scan3A_3 = arith.constant 0 : i32
    %scan3A_4 = arith.constant 80 : i32
    %scan3A_5 = arith.addi %scan3A_3, %scan3A_4 : i32
    %scan3A_6 = arith.constant 1 : i32
    scf.for %scan3A_17 = %scan3A_3 to %scan3A_5 step %scan3A_6  : i32 {
      %dma_start3A = arith.constant 0 : i32
      %dma_start3A_18 = tpu.memref_slice %arg12[%scan3A_17, %dma_start3A] : memref<80x128xi32, #tpu.memory_space<vmem>> -> memref<1x128xi32, #tpu.memory_space<vmem>>
      %dma_start3A_19 = tpu.memref_squeeze %dma_start3A_18 : memref<1x128xi32, #tpu.memory_space<vmem>> -> memref<128xi32, #tpu.memory_space<vmem>>
      %dma_start3A_20 = arith.constant 0 : i32
      %dma_start3A_21 = arith.constant 0 : i32
      %dma_start3A_22 = tpu.memref_slice %arg16[%dma_start3A_20, %dma_start3A_21] : memref<10240x48xf32, #tpu.memory_space<vmem_shared>> -> memref<10240x48xf32, #tpu.memory_space<vmem_shared>>
      tpu.enqueue_indirect_dma source(%dma_start3A_22 : memref<10240x48xf32, #tpu.memory_space<vmem_shared>>) target(%arg14 : memref<128x48xf32, #tpu.memory_space<vmem>>) offsets(%dma_start3A_19 : memref<128xi32, #tpu.memory_space<vmem>>) semaphore(%arg17 : memref<!tpu.dma_semaphore, #tpu.memory_space<semaphore_mem>>)
      %dma_wait3A = arith.constant 0 : i32
      %dma_wait3A_23 = tpu.memref_slice %arg12[%scan3A_17, %dma_wait3A] : memref<80x128xi32, #tpu.memory_space<vmem>> -> memref<1x128xi32, #tpu.memory_space<vmem>>
      %dma_wait3A_24 = tpu.memref_squeeze %dma_wait3A_23 : memref<1x128xi32, #tpu.memory_space<vmem>> -> memref<128xi32, #tpu.memory_space<vmem>>
      %dma_wait3A_25 = arith.constant 0 : i32
      %dma_wait3A_26 = arith.constant 0 : i32
      %dma_wait3A_27 = tpu.memref_slice %arg16[%dma_wait3A_25, %dma_wait3A_26] : memref<10240x48xf32, #tpu.memory_space<vmem_shared>> -> memref<10240x48xf32, #tpu.memory_space<vmem_shared>>
      tpu.wait_indirect_dma semaphore(%arg17 : memref<!tpu.dma_semaphore, #tpu.memory_space<semaphore_mem>>) src(%dma_wait3A_27 : memref<10240x48xf32, #tpu.memory_space<vmem_shared>>) dst(%arg14 : memref<128x48xf32, #tpu.memory_space<vmem>>)
      "tpu.region"() ({
        %run_scoped3A = tpu.sem_alloc : memref<!tpu.dma_semaphore, #tpu.memory_space<semaphore_mem>>
        %dma_start3A_28 = arith.constant 0 : i32
        %dma_start3A_29 = tpu.memref_slice %arg13[%scan3A_17, %dma_start3A_28] : memref<80x128xi32, #tpu.memory_space<vmem>> -> memref<1x128xi32, #tpu.memory_space<vmem>>
        %dma_start3A_30 = tpu.memref_squeeze %dma_start3A_29 : memref<1x128xi32, #tpu.memory_space<vmem>> -> memref<128xi32, #tpu.memory_space<vmem>>
        %dma_start3A_31 = arith.constant 0 : i32
        %dma_start3A_32 = arith.constant 0 : i32
        %dma_start3A_33 = tpu.memref_slice %arg15[%dma_start3A_31, %dma_start3A_32] : memref<10240x48xf32, #tpu.memory_space<vmem_shared>> -> memref<10240x48xf32, #tpu.memory_space<vmem_shared>>
        tpu.enqueue_indirect_dma source(%arg14 : memref<128x48xf32, #tpu.memory_space<vmem>>) target(%dma_start3A_33 : memref<10240x48xf32, #tpu.memory_space<vmem_shared>>) offsets(%dma_start3A_30 : memref<128xi32, #tpu.memory_space<vmem>>) semaphore(%run_scoped3A : memref<!tpu.dma_semaphore, #tpu.memory_space<semaphore_mem>>) {add = true}
        %dma_wait3A_34 = arith.constant 0 : i32
        %dma_wait3A_35 = tpu.memref_slice %arg13[%scan3A_17, %dma_wait3A_34] : memref<80x128xi32, #tpu.memory_space<vmem>> -> memref<1x128xi32, #tpu.memory_space<vmem>>
        %dma_wait3A_36 = tpu.memref_squeeze %dma_wait3A_35 : memref<1x128xi32, #tpu.memory_space<vmem>> -> memref<128xi32, #tpu.memory_space<vmem>>
        %dma_wait3A_37 = arith.constant 0 : i32
        %dma_wait3A_38 = arith.constant 0 : i32
        %dma_wait3A_39 = tpu.memref_slice %arg15[%dma_wait3A_37, %dma_wait3A_38] : memref<10240x48xf32, #tpu.memory_space<vmem_shared>> -> memref<10240x48xf32, #tpu.memory_space<vmem_shared>>
        tpu.wait_indirect_dma semaphore(%run_scoped3A : memref<!tpu.dma_semaphore, #tpu.memory_space<semaphore_mem>>) src(%arg14 : memref<128x48xf32, #tpu.memory_space<vmem>>) dst(%dma_wait3A_39 : memref<10240x48xf32, #tpu.memory_space<vmem_shared>>)
        tpu.yield
      }) : () -> ()
      "tpu.region"() ({
        %run_scoped3A = tpu.sem_alloc : memref<!tpu.dma_semaphore, #tpu.memory_space<semaphore_mem>>
        %dma_start3A_28 = arith.constant 0 : i32
        %dma_start3A_29 = tpu.memref_slice %arg13[%scan3A_17, %dma_start3A_28] : memref<80x128xi32, #tpu.memory_space<vmem>> -> memref<1x128xi32, #tpu.memory_space<vmem>>
        %dma_start3A_30 = tpu.memref_squeeze %dma_start3A_29 : memref<1x128xi32, #tpu.memory_space<vmem>> -> memref<128xi32, #tpu.memory_space<vmem>>
        %dma_start3A_31 = arith.constant 0 : i32
        %dma_start3A_32 = arith.constant 0 : i32
        %dma_start3A_33 = tpu.memref_slice %arg19[%dma_start3A_31, %dma_start3A_32] : memref<10240x16xf32, #tpu.memory_space<vmem_shared>> -> memref<10240x16xf32, #tpu.memory_space<vmem_shared>>
        tpu.enqueue_indirect_dma source(%arg18 : memref<128x16xf32, #tpu.memory_space<vmem>>) target(%dma_start3A_33 : memref<10240x16xf32, #tpu.memory_space<vmem_shared>>) offsets(%dma_start3A_30 : memref<128xi32, #tpu.memory_space<vmem>>) semaphore(%run_scoped3A : memref<!tpu.dma_semaphore, #tpu.memory_space<semaphore_mem>>) {add = true}
        %dma_wait3A_34 = arith.constant 0 : i32
        %dma_wait3A_35 = tpu.memref_slice %arg13[%scan3A_17, %dma_wait3A_34] : memref<80x128xi32, #tpu.memory_space<vmem>> -> memref<1x128xi32, #tpu.memory_space<vmem>>
        %dma_wait3A_36 = tpu.memref_squeeze %dma_wait3A_35 : memref<1x128xi32, #tpu.memory_space<vmem>> -> memref<128xi32, #tpu.memory_space<vmem>>
        %dma_wait3A_37 = arith.constant 0 : i32
        %dma_wait3A_38 = arith.constant 0 : i32
        %dma_wait3A_39 = tpu.memref_slice %arg19[%dma_wait3A_37, %dma_wait3A_38] : memref<10240x16xf32, #tpu.memory_space<vmem_shared>> -> memref<10240x16xf32, #tpu.memory_space<vmem_shared>>
        tpu.wait_indirect_dma semaphore(%run_scoped3A : memref<!tpu.dma_semaphore, #tpu.memory_space<semaphore_mem>>) src(%arg18 : memref<128x16xf32, #tpu.memory_space<vmem>>) dst(%dma_wait3A_39 : memref<10240x16xf32, #tpu.memory_space<vmem_shared>>)
        tpu.yield
      }) : () -> ()
    }
    %scan3A_7 = arith.constant 80 : i32
    %barrier3A_8 = arith.constant 0 : index
    tpu.barrier barrier_id(%barrier3A_8)
    "tpu.region"() ({
      %run_scoped3A = tpu.sem_alloc : memref<!tpu.dma_semaphore, #tpu.memory_space<semaphore_mem>>
      %dma_start3A = arith.constant 0 : i32
      %dma_start3A_17 = arith.constant 0 : i32
      %dma_start3A_18 = tpu.memref_slice %arg9[%arg0, %dma_start3A, %dma_start3A_17] : memref<2x10240x48xf32, #tpu.memory_space<hbm>> -> memref<1x10240x48xf32, #tpu.memory_space<hbm>>
      %dma_start3A_19 = tpu.memref_squeeze %dma_start3A_18 : memref<1x10240x48xf32, #tpu.memory_space<hbm>> -> memref<10240x48xf32, #tpu.memory_space<hbm>>
      %dma_start3A_20 = arith.constant 0 : i32
      %dma_start3A_21 = tpu.memref_slice %dma_start3A_19[%mul3A_2, %dma_start3A_20] : memref<10240x48xf32, #tpu.memory_space<hbm>> -> memref<640x48xf32, #tpu.memory_space<hbm>>
      %dma_start3A_22 = arith.constant 0 : i32
      %dma_start3A_23 = tpu.memref_slice %arg15[%mul3A_2, %dma_start3A_22] : memref<10240x48xf32, #tpu.memory_space<vmem_shared>> -> memref<640x48xf32, #tpu.memory_space<vmem_shared>>
      tpu.enqueue_dma source(%dma_start3A_23 : memref<640x48xf32, #tpu.memory_space<vmem_shared>>) target(%dma_start3A_21 : memref<640x48xf32, #tpu.memory_space<hbm>>) target_semaphore(%run_scoped3A : memref<!tpu.dma_semaphore, #tpu.memory_space<semaphore_mem>>)
      %dma_wait3A = arith.constant 0 : i32
      %dma_wait3A_24 = arith.constant 0 : i32
      %dma_wait3A_25 = tpu.memref_slice %arg9[%arg0, %dma_wait3A, %dma_wait3A_24] : memref<2x10240x48xf32, #tpu.memory_space<hbm>> -> memref<1x10240x48xf32, #tpu.memory_space<hbm>>
      %dma_wait3A_26 = tpu.memref_squeeze %dma_wait3A_25 : memref<1x10240x48xf32, #tpu.memory_space<hbm>> -> memref<10240x48xf32, #tpu.memory_space<hbm>>
      %dma_wait3A_27 = arith.constant 0 : i32
      %dma_wait3A_28 = tpu.memref_slice %dma_wait3A_26[%mul3A_2, %dma_wait3A_27] : memref<10240x48xf32, #tpu.memory_space<hbm>> -> memref<640x48xf32, #tpu.memory_space<hbm>>
      %dma_wait3A_29 = arith.constant 0 : i32
      %dma_wait3A_30 = tpu.memref_slice %arg15[%mul3A_2, %dma_wait3A_29] : memref<10240x48xf32, #tpu.memory_space<vmem_shared>> -> memref<640x48xf32, #tpu.memory_space<vmem_shared>>
      tpu.wait_dma2 semaphore(%run_scoped3A : memref<!tpu.dma_semaphore, #tpu.memory_space<semaphore_mem>>) src(%dma_wait3A_30 : memref<640x48xf32, #tpu.memory_space<vmem_shared>>) dst(%dma_wait3A_28 : memref<640x48xf32, #tpu.memory_space<hbm>>)
      tpu.yield
    }) : () -> ()
    "tpu.region"() ({
      %run_scoped3A = tpu.sem_alloc : memref<!tpu.dma_semaphore, #tpu.memory_space<semaphore_mem>>
      %dma_start3A = arith.constant 0 : i32
      %dma_start3A_17 = arith.constant 0 : i32
      %dma_start3A_18 = tpu.memref_slice %arg11[%arg0, %dma_start3A, %dma_start3A_17] : memref<2x10240x16xf32, #tpu.memory_space<hbm>> -> memref<1x10240x16xf32, #tpu.memory_space<hbm>>
      %dma_start3A_19 = tpu.memref_squeeze %dma_start3A_18 : memref<1x10240x16xf32, #tpu.memory_space<hbm>> -> memref<10240x16xf32, #tpu.memory_space<hbm>>
      %dma_start3A_20 = arith.constant 0 : i32
      %dma_start3A_21 = tpu.memref_slice %dma_start3A_19[%mul3A_2, %dma_start3A_20] : memref<10240x16xf32, #tpu.memory_space<hbm>> -> memref<640x16xf32, #tpu.memory_space<hbm>>
      %dma_start3A_22 = arith.constant 0 : i32
      %dma_start3A_23 = tpu.memref_slice %arg19[%mul3A_2, %dma_start3A_22] : memref<10240x16xf32, #tpu.memory_space<vmem_shared>> -> memref<640x16xf32, #tpu.memory_space<vmem_shared>>
      tpu.enqueue_dma source(%dma_start3A_23 : memref<640x16xf32, #tpu.memory_space<vmem_shared>>) target(%dma_start3A_21 : memref<640x16xf32, #tpu.memory_space<hbm>>) target_semaphore(%run_scoped3A : memref<!tpu.dma_semaphore, #tpu.memory_space<semaphore_mem>>)
      %dma_wait3A = arith.constant 0 : i32
      %dma_wait3A_24 = arith.constant 0 : i32
      %dma_wait3A_25 = tpu.memref_slice %arg11[%arg0, %dma_wait3A, %dma_wait3A_24] : memref<2x10240x16xf32, #tpu.memory_space<hbm>> -> memref<1x10240x16xf32, #tpu.memory_space<hbm>>
      %dma_wait3A_26 = tpu.memref_squeeze %dma_wait3A_25 : memref<1x10240x16xf32, #tpu.memory_space<hbm>> -> memref<10240x16xf32, #tpu.memory_space<hbm>>
      %dma_wait3A_27 = arith.constant 0 : i32
      %dma_wait3A_28 = tpu.memref_slice %dma_wait3A_26[%mul3A_2, %dma_wait3A_27] : memref<10240x16xf32, #tpu.memory_space<hbm>> -> memref<640x16xf32, #tpu.memory_space<hbm>>
      %dma_wait3A_29 = arith.constant 0 : i32
      %dma_wait3A_30 = tpu.memref_slice %arg19[%mul3A_2, %dma_wait3A_29] : memref<10240x16xf32, #tpu.memory_space<vmem_shared>> -> memref<640x16xf32, #tpu.memory_space<vmem_shared>>
      tpu.wait_dma2 semaphore(%run_scoped3A : memref<!tpu.dma_semaphore, #tpu.memory_space<semaphore_mem>>) src(%dma_wait3A_30 : memref<640x16xf32, #tpu.memory_space<vmem_shared>>) dst(%dma_wait3A_28 : memref<640x16xf32, #tpu.memory_space<hbm>>)
      tpu.yield
    }) : () -> ()
    "tpu.region"() ({
      %run_scoped3A = tpu.sem_alloc : memref<!tpu.dma_semaphore, #tpu.memory_space<semaphore_mem>>
      %dma_start3A = arith.constant 0 : i32
      %dma_start3A_17 = tpu.memref_slice %arg16[%mul3A_2, %dma_start3A] : memref<10240x48xf32, #tpu.memory_space<vmem_shared>> -> memref<640x48xf32, #tpu.memory_space<vmem_shared>>
      %dma_start3A_18 = arith.constant 0 : i32
      %dma_start3A_19 = tpu.memref_slice %arg3[%mul3A_2, %dma_start3A_18] : memref<10240x48xf32, #tpu.memory_space<hbm>> -> memref<640x48xf32, #tpu.memory_space<hbm>>
      tpu.enqueue_dma source(%dma_start3A_19 : memref<640x48xf32, #tpu.memory_space<hbm>>) target(%dma_start3A_17 : memref<640x48xf32, #tpu.memory_space<vmem_shared>>) target_semaphore(%run_scoped3A : memref<!tpu.dma_semaphore, #tpu.memory_space<semaphore_mem>>)
      %dma_wait3A = arith.constant 0 : i32
      %dma_wait3A_20 = tpu.memref_slice %arg16[%mul3A_2, %dma_wait3A] : memref<10240x48xf32, #tpu.memory_space<vmem_shared>> -> memref<640x48xf32, #tpu.memory_space<vmem_shared>>
      %dma_wait3A_21 = arith.constant 0 : i32
      %dma_wait3A_22 = tpu.memref_slice %arg3[%mul3A_2, %dma_wait3A_21] : memref<10240x48xf32, #tpu.memory_space<hbm>> -> memref<640x48xf32, #tpu.memory_space<hbm>>
      tpu.wait_dma2 semaphore(%run_scoped3A : memref<!tpu.dma_semaphore, #tpu.memory_space<semaphore_mem>>) src(%dma_wait3A_22 : memref<640x48xf32, #tpu.memory_space<hbm>>) dst(%dma_wait3A_20 : memref<640x48xf32, #tpu.memory_space<vmem_shared>>)
      tpu.yield
    }) : () -> ()
    "tpu.region"() ({
      %run_scoped3A = tpu.sem_alloc : memref<!tpu.dma_semaphore, #tpu.memory_space<semaphore_mem>>
      %dma_start3A = arith.constant 0 : i32
      %dma_start3A_17 = tpu.memref_slice %arg15[%mul3A_2, %dma_start3A] : memref<10240x48xf32, #tpu.memory_space<vmem_shared>> -> memref<640x48xf32, #tpu.memory_space<vmem_shared>>
      %dma_start3A_18 = arith.constant 0 : i32
      %dma_start3A_19 = tpu.memref_slice %arg6[%mul3A_2, %dma_start3A_18] : memref<10240x48xf32, #tpu.memory_space<hbm>> -> memref<640x48xf32, #tpu.memory_space<hbm>>
      tpu.enqueue_dma source(%dma_start3A_19 : memref<640x48xf32, #tpu.memory_space<hbm>>) target(%dma_start3A_17 : memref<640x48xf32, #tpu.memory_space<vmem_shared>>) target_semaphore(%run_scoped3A : memref<!tpu.dma_semaphore, #tpu.memory_space<semaphore_mem>>)
      %dma_wait3A = arith.constant 0 : i32
      %dma_wait3A_20 = tpu.memref_slice %arg15[%mul3A_2, %dma_wait3A] : memref<10240x48xf32, #tpu.memory_space<vmem_shared>> -> memref<640x48xf32, #tpu.memory_space<vmem_shared>>
      %dma_wait3A_21 = arith.constant 0 : i32
      %dma_wait3A_22 = tpu.memref_slice %arg6[%mul3A_2, %dma_wait3A_21] : memref<10240x48xf32, #tpu.memory_space<hbm>> -> memref<640x48xf32, #tpu.memory_space<hbm>>
      tpu.wait_dma2 semaphore(%run_scoped3A : memref<!tpu.dma_semaphore, #tpu.memory_space<semaphore_mem>>) src(%dma_wait3A_22 : memref<640x48xf32, #tpu.memory_space<hbm>>) dst(%dma_wait3A_20 : memref<640x48xf32, #tpu.memory_space<vmem_shared>>)
      tpu.yield
    }) : () -> ()
    %barrier3A_9 = arith.constant 0 : index
    tpu.barrier barrier_id(%barrier3A_9)
    %scan3A_10 = arith.constant 0 : i32
    %scan3A_11 = arith.constant 0 : i32
    %scan3A_12 = arith.constant 80 : i32
    %scan3A_13 = arith.addi %scan3A_11, %scan3A_12 : i32
    %scan3A_14 = arith.constant 1 : i32
    scf.for %scan3A_17 = %scan3A_11 to %scan3A_13 step %scan3A_14  : i32 {
      %dma_start3A = arith.constant 0 : i32
      %dma_start3A_18 = tpu.memref_slice %arg12[%scan3A_17, %dma_start3A] : memref<80x128xi32, #tpu.memory_space<vmem>> -> memref<1x128xi32, #tpu.memory_space<vmem>>
      %dma_start3A_19 = tpu.memref_squeeze %dma_start3A_18 : memref<1x128xi32, #tpu.memory_space<vmem>> -> memref<128xi32, #tpu.memory_space<vmem>>
      %dma_start3A_20 = arith.constant 0 : i32
      %dma_start3A_21 = arith.constant 0 : i32
      %dma_start3A_22 = tpu.memref_slice %arg16[%dma_start3A_20, %dma_start3A_21] : memref<10240x48xf32, #tpu.memory_space<vmem_shared>> -> memref<10240x48xf32, #tpu.memory_space<vmem_shared>>
      tpu.enqueue_indirect_dma source(%dma_start3A_22 : memref<10240x48xf32, #tpu.memory_space<vmem_shared>>) target(%arg14 : memref<128x48xf32, #tpu.memory_space<vmem>>) offsets(%dma_start3A_19 : memref<128xi32, #tpu.memory_space<vmem>>) semaphore(%arg17 : memref<!tpu.dma_semaphore, #tpu.memory_space<semaphore_mem>>)
      %dma_wait3A = arith.constant 0 : i32
      %dma_wait3A_23 = tpu.memref_slice %arg12[%scan3A_17, %dma_wait3A] : memref<80x128xi32, #tpu.memory_space<vmem>> -> memref<1x128xi32, #tpu.memory_space<vmem>>
      %dma_wait3A_24 = tpu.memref_squeeze %dma_wait3A_23 : memref<1x128xi32, #tpu.memory_space<vmem>> -> memref<128xi32, #tpu.memory_space<vmem>>
      %dma_wait3A_25 = arith.constant 0 : i32
      %dma_wait3A_26 = arith.constant 0 : i32
      %dma_wait3A_27 = tpu.memref_slice %arg16[%dma_wait3A_25, %dma_wait3A_26] : memref<10240x48xf32, #tpu.memory_space<vmem_shared>> -> memref<10240x48xf32, #tpu.memory_space<vmem_shared>>
      tpu.wait_indirect_dma semaphore(%arg17 : memref<!tpu.dma_semaphore, #tpu.memory_space<semaphore_mem>>) src(%dma_wait3A_27 : memref<10240x48xf32, #tpu.memory_space<vmem_shared>>) dst(%arg14 : memref<128x48xf32, #tpu.memory_space<vmem>>)
      "tpu.region"() ({
        %run_scoped3A = tpu.sem_alloc : memref<!tpu.dma_semaphore, #tpu.memory_space<semaphore_mem>>
        %dma_start3A_28 = arith.constant 0 : i32
        %dma_start3A_29 = tpu.memref_slice %arg13[%scan3A_17, %dma_start3A_28] : memref<80x128xi32, #tpu.memory_space<vmem>> -> memref<1x128xi32, #tpu.memory_space<vmem>>
        %dma_start3A_30 = tpu.memref_squeeze %dma_start3A_29 : memref<1x128xi32, #tpu.memory_space<vmem>> -> memref<128xi32, #tpu.memory_space<vmem>>
        %dma_start3A_31 = arith.constant 0 : i32
        %dma_start3A_32 = arith.constant 0 : i32
        %dma_start3A_33 = tpu.memref_slice %arg15[%dma_start3A_31, %dma_start3A_32] : memref<10240x48xf32, #tpu.memory_space<vmem_shared>> -> memref<10240x48xf32, #tpu.memory_space<vmem_shared>>
        tpu.enqueue_indirect_dma source(%arg14 : memref<128x48xf32, #tpu.memory_space<vmem>>) target(%dma_start3A_33 : memref<10240x48xf32, #tpu.memory_space<vmem_shared>>) offsets(%dma_start3A_30 : memref<128xi32, #tpu.memory_space<vmem>>) semaphore(%run_scoped3A : memref<!tpu.dma_semaphore, #tpu.memory_space<semaphore_mem>>) {add = true}
        %dma_wait3A_34 = arith.constant 0 : i32
        %dma_wait3A_35 = tpu.memref_slice %arg13[%scan3A_17, %dma_wait3A_34] : memref<80x128xi32, #tpu.memory_space<vmem>> -> memref<1x128xi32, #tpu.memory_space<vmem>>
        %dma_wait3A_36 = tpu.memref_squeeze %dma_wait3A_35 : memref<1x128xi32, #tpu.memory_space<vmem>> -> memref<128xi32, #tpu.memory_space<vmem>>
        %dma_wait3A_37 = arith.constant 0 : i32
        %dma_wait3A_38 = arith.constant 0 : i32
        %dma_wait3A_39 = tpu.memref_slice %arg15[%dma_wait3A_37, %dma_wait3A_38] : memref<10240x48xf32, #tpu.memory_space<vmem_shared>> -> memref<10240x48xf32, #tpu.memory_space<vmem_shared>>
        tpu.wait_indirect_dma semaphore(%run_scoped3A : memref<!tpu.dma_semaphore, #tpu.memory_space<semaphore_mem>>) src(%arg14 : memref<128x48xf32, #tpu.memory_space<vmem>>) dst(%dma_wait3A_39 : memref<10240x48xf32, #tpu.memory_space<vmem_shared>>)
        tpu.yield
      }) : () -> ()
    }
    %scan3A_15 = arith.constant 80 : i32
    %barrier3A_16 = arith.constant 0 : index
    tpu.barrier barrier_id(%barrier3A_16)
    "tpu.region"() ({
      %run_scoped3A = tpu.sem_alloc : memref<!tpu.dma_semaphore, #tpu.memory_space<semaphore_mem>>
      %dma_start3A = arith.constant 0 : i32
      %dma_start3A_17 = arith.constant 0 : i32
      %dma_start3A_18 = tpu.memref_slice %arg10[%arg0, %dma_start3A, %dma_start3A_17] : memref<2x10240x48xf32, #tpu.memory_space<hbm>> -> memref<1x10240x48xf32, #tpu.memory_space<hbm>>
      %dma_start3A_19 = tpu.memref_squeeze %dma_start3A_18 : memref<1x10240x48xf32, #tpu.memory_space<hbm>> -> memref<10240x48xf32, #tpu.memory_space<hbm>>
      %dma_start3A_20 = arith.constant 0 : i32
      %dma_start3A_21 = tpu.memref_slice %dma_start3A_19[%mul3A_2, %dma_start3A_20] : memref<10240x48xf32, #tpu.memory_space<hbm>> -> memref<640x48xf32, #tpu.memory_space<hbm>>
      %dma_start3A_22 = arith.constant 0 : i32
      %dma_start3A_23 = tpu.memref_slice %arg15[%mul3A_2, %dma_start3A_22] : memref<10240x48xf32, #tpu.memory_space<vmem_shared>> -> memref<640x48xf32, #tpu.memory_space<vmem_shared>>
      tpu.enqueue_dma source(%dma_start3A_23 : memref<640x48xf32, #tpu.memory_space<vmem_shared>>) target(%dma_start3A_21 : memref<640x48xf32, #tpu.memory_space<hbm>>) target_semaphore(%run_scoped3A : memref<!tpu.dma_semaphore, #tpu.memory_space<semaphore_mem>>)
      %dma_wait3A = arith.constant 0 : i32
      %dma_wait3A_24 = arith.constant 0 : i32
      %dma_wait3A_25 = tpu.memref_slice %arg10[%arg0, %dma_wait3A, %dma_wait3A_24] : memref<2x10240x48xf32, #tpu.memory_space<hbm>> -> memref<1x10240x48xf32, #tpu.memory_space<hbm>>
      %dma_wait3A_26 = tpu.memref_squeeze %dma_wait3A_25 : memref<1x10240x48xf32, #tpu.memory_space<hbm>> -> memref<10240x48xf32, #tpu.memory_space<hbm>>
      %dma_wait3A_27 = arith.constant 0 : i32
      %dma_wait3A_28 = tpu.memref_slice %dma_wait3A_26[%mul3A_2, %dma_wait3A_27] : memref<10240x48xf32, #tpu.memory_space<hbm>> -> memref<640x48xf32, #tpu.memory_space<hbm>>
      %dma_wait3A_29 = arith.constant 0 : i32
      %dma_wait3A_30 = tpu.memref_slice %arg15[%mul3A_2, %dma_wait3A_29] : memref<10240x48xf32, #tpu.memory_space<vmem_shared>> -> memref<640x48xf32, #tpu.memory_space<vmem_shared>>
      tpu.wait_dma2 semaphore(%run_scoped3A : memref<!tpu.dma_semaphore, #tpu.memory_space<semaphore_mem>>) src(%dma_wait3A_30 : memref<640x48xf32, #tpu.memory_space<vmem_shared>>) dst(%dma_wait3A_28 : memref<640x48xf32, #tpu.memory_space<hbm>>)
      tpu.yield
    }) : () -> ()
    return
  }
}

#map = affine_map<(d0, d1) -> (0, 0)>
#map1 = affine_map<(d0, d1) -> (0, 0, 0)>
module attributes {stable_mosaic.version = 14 : i64} {
  func.func @body(%arg0: i32, %arg1: i32, %arg2: memref<10240x64xf32, #tpu.memory_space<hbm>>, %arg3: memref<32x80x128xi32, #tpu.memory_space<hbm>>, %arg4: memref<32x80x128xi32, #tpu.memory_space<hbm>>, %arg5: memref<10240x64xf32, #tpu.memory_space<hbm>>, %arg6: memref<2x10240x64xf32, #tpu.memory_space<hbm>>, %arg7: memref<80x128xi32, #tpu.memory_space<vmem>>, %arg8: memref<80x128xi32, #tpu.memory_space<vmem>>, %arg9: memref<128x64xf32, #tpu.memory_space<vmem>>, %arg10: memref<10240x64xf32, #tpu.memory_space<vmem_shared>>, %arg11: memref<10240x64xf32, #tpu.memory_space<vmem_shared>>, %arg12: memref<!tpu.dma_semaphore, #tpu.memory_space<semaphore_mem>>) attributes {dimension_semantics = [#tpu.dimension_semantics<core_parallel>, #tpu.dimension_semantics<subcore_parallel>], iteration_bounds = array<i64: 2, 16>, scalar_prefetch = 0 : i64, scratch_operands = 6 : i64, tpu.core_type = #tpu.core_type<sc_vector_subcore>, window_params = [{transform_indices = #map}, {transform_indices = #map1}, {transform_indices = #map1}, {transform_indices = #map}, {transform_indices = #map1}]} {
    %mul3A = arith.constant 2 : i32
    %mul3A_0 = arith.muli %arg1, %mul3A : i32
    %add3A = arith.addi %mul3A_0, %arg0 : i32
    %mul3A_1 = arith.constant 640 : i32
    %mul3A_2 = arith.muli %arg1, %mul3A_1 : i32
    "tpu.region"() ({
      %run_scoped3A = tpu.sem_alloc : memref<!tpu.dma_semaphore, #tpu.memory_space<semaphore_mem>>
      %dma_start3A = arith.constant 0 : i32
      %dma_start3A_9 = arith.constant 0 : i32
      %dma_start3A_10 = tpu.memref_slice %arg3[%add3A, %dma_start3A, %dma_start3A_9] : memref<32x80x128xi32, #tpu.memory_space<hbm>> -> memref<1x80x128xi32, #tpu.memory_space<hbm>>
      %dma_start3A_11 = tpu.memref_squeeze %dma_start3A_10 : memref<1x80x128xi32, #tpu.memory_space<hbm>> -> memref<80x128xi32, #tpu.memory_space<hbm>>
      %dma_start3A_12 = arith.constant 0 : i32
      %dma_start3A_13 = arith.constant 0 : i32
      %dma_start3A_14 = tpu.memref_slice %arg3[%add3A, %dma_start3A_12, %dma_start3A_13] : memref<32x80x128xi32, #tpu.memory_space<hbm>> -> memref<1x80x128xi32, #tpu.memory_space<hbm>>
      %dma_start3A_15 = tpu.memref_squeeze %dma_start3A_14 : memref<1x80x128xi32, #tpu.memory_space<hbm>> -> memref<80x128xi32, #tpu.memory_space<hbm>>
      tpu.enqueue_dma source(%dma_start3A_15 : memref<80x128xi32, #tpu.memory_space<hbm>>) target(%arg7 : memref<80x128xi32, #tpu.memory_space<vmem>>) target_semaphore(%run_scoped3A : memref<!tpu.dma_semaphore, #tpu.memory_space<semaphore_mem>>)
      %dma_wait3A = arith.constant 0 : i32
      %dma_wait3A_16 = arith.constant 0 : i32
      %dma_wait3A_17 = tpu.memref_slice %arg3[%add3A, %dma_wait3A, %dma_wait3A_16] : memref<32x80x128xi32, #tpu.memory_space<hbm>> -> memref<1x80x128xi32, #tpu.memory_space<hbm>>
      %dma_wait3A_18 = tpu.memref_squeeze %dma_wait3A_17 : memref<1x80x128xi32, #tpu.memory_space<hbm>> -> memref<80x128xi32, #tpu.memory_space<hbm>>
      %dma_wait3A_19 = arith.constant 0 : i32
      %dma_wait3A_20 = arith.constant 0 : i32
      %dma_wait3A_21 = tpu.memref_slice %arg3[%add3A, %dma_wait3A_19, %dma_wait3A_20] : memref<32x80x128xi32, #tpu.memory_space<hbm>> -> memref<1x80x128xi32, #tpu.memory_space<hbm>>
      %dma_wait3A_22 = tpu.memref_squeeze %dma_wait3A_21 : memref<1x80x128xi32, #tpu.memory_space<hbm>> -> memref<80x128xi32, #tpu.memory_space<hbm>>
      tpu.wait_dma2 semaphore(%run_scoped3A : memref<!tpu.dma_semaphore, #tpu.memory_space<semaphore_mem>>) src(%dma_wait3A_22 : memref<80x128xi32, #tpu.memory_space<hbm>>) dst(%arg7 : memref<80x128xi32, #tpu.memory_space<vmem>>)
      tpu.yield
    }) : () -> ()
    "tpu.region"() ({
      %run_scoped3A = tpu.sem_alloc : memref<!tpu.dma_semaphore, #tpu.memory_space<semaphore_mem>>
      %dma_start3A = arith.constant 0 : i32
      %dma_start3A_9 = arith.constant 0 : i32
      %dma_start3A_10 = tpu.memref_slice %arg4[%add3A, %dma_start3A, %dma_start3A_9] : memref<32x80x128xi32, #tpu.memory_space<hbm>> -> memref<1x80x128xi32, #tpu.memory_space<hbm>>
      %dma_start3A_11 = tpu.memref_squeeze %dma_start3A_10 : memref<1x80x128xi32, #tpu.memory_space<hbm>> -> memref<80x128xi32, #tpu.memory_space<hbm>>
      %dma_start3A_12 = arith.constant 0 : i32
      %dma_start3A_13 = arith.constant 0 : i32
      %dma_start3A_14 = tpu.memref_slice %arg4[%add3A, %dma_start3A_12, %dma_start3A_13] : memref<32x80x128xi32, #tpu.memory_space<hbm>> -> memref<1x80x128xi32, #tpu.memory_space<hbm>>
      %dma_start3A_15 = tpu.memref_squeeze %dma_start3A_14 : memref<1x80x128xi32, #tpu.memory_space<hbm>> -> memref<80x128xi32, #tpu.memory_space<hbm>>
      tpu.enqueue_dma source(%dma_start3A_15 : memref<80x128xi32, #tpu.memory_space<hbm>>) target(%arg8 : memref<80x128xi32, #tpu.memory_space<vmem>>) target_semaphore(%run_scoped3A : memref<!tpu.dma_semaphore, #tpu.memory_space<semaphore_mem>>)
      %dma_wait3A = arith.constant 0 : i32
      %dma_wait3A_16 = arith.constant 0 : i32
      %dma_wait3A_17 = tpu.memref_slice %arg4[%add3A, %dma_wait3A, %dma_wait3A_16] : memref<32x80x128xi32, #tpu.memory_space<hbm>> -> memref<1x80x128xi32, #tpu.memory_space<hbm>>
      %dma_wait3A_18 = tpu.memref_squeeze %dma_wait3A_17 : memref<1x80x128xi32, #tpu.memory_space<hbm>> -> memref<80x128xi32, #tpu.memory_space<hbm>>
      %dma_wait3A_19 = arith.constant 0 : i32
      %dma_wait3A_20 = arith.constant 0 : i32
      %dma_wait3A_21 = tpu.memref_slice %arg4[%add3A, %dma_wait3A_19, %dma_wait3A_20] : memref<32x80x128xi32, #tpu.memory_space<hbm>> -> memref<1x80x128xi32, #tpu.memory_space<hbm>>
      %dma_wait3A_22 = tpu.memref_squeeze %dma_wait3A_21 : memref<1x80x128xi32, #tpu.memory_space<hbm>> -> memref<80x128xi32, #tpu.memory_space<hbm>>
      tpu.wait_dma2 semaphore(%run_scoped3A : memref<!tpu.dma_semaphore, #tpu.memory_space<semaphore_mem>>) src(%dma_wait3A_22 : memref<80x128xi32, #tpu.memory_space<hbm>>) dst(%arg8 : memref<80x128xi32, #tpu.memory_space<vmem>>)
      tpu.yield
    }) : () -> ()
    "tpu.region"() ({
      %run_scoped3A = tpu.sem_alloc : memref<!tpu.dma_semaphore, #tpu.memory_space<semaphore_mem>>
      %dma_start3A = arith.constant 0 : i32
      %dma_start3A_9 = tpu.memref_slice %arg11[%mul3A_2, %dma_start3A] : memref<10240x64xf32, #tpu.memory_space<vmem_shared>> -> memref<640x64xf32, #tpu.memory_space<vmem_shared>>
      %dma_start3A_10 = arith.constant 0 : i32
      %dma_start3A_11 = tpu.memref_slice %arg2[%mul3A_2, %dma_start3A_10] : memref<10240x64xf32, #tpu.memory_space<hbm>> -> memref<640x64xf32, #tpu.memory_space<hbm>>
      tpu.enqueue_dma source(%dma_start3A_11 : memref<640x64xf32, #tpu.memory_space<hbm>>) target(%dma_start3A_9 : memref<640x64xf32, #tpu.memory_space<vmem_shared>>) target_semaphore(%run_scoped3A : memref<!tpu.dma_semaphore, #tpu.memory_space<semaphore_mem>>)
      %dma_wait3A = arith.constant 0 : i32
      %dma_wait3A_12 = tpu.memref_slice %arg11[%mul3A_2, %dma_wait3A] : memref<10240x64xf32, #tpu.memory_space<vmem_shared>> -> memref<640x64xf32, #tpu.memory_space<vmem_shared>>
      %dma_wait3A_13 = arith.constant 0 : i32
      %dma_wait3A_14 = tpu.memref_slice %arg2[%mul3A_2, %dma_wait3A_13] : memref<10240x64xf32, #tpu.memory_space<hbm>> -> memref<640x64xf32, #tpu.memory_space<hbm>>
      tpu.wait_dma2 semaphore(%run_scoped3A : memref<!tpu.dma_semaphore, #tpu.memory_space<semaphore_mem>>) src(%dma_wait3A_14 : memref<640x64xf32, #tpu.memory_space<hbm>>) dst(%dma_wait3A_12 : memref<640x64xf32, #tpu.memory_space<vmem_shared>>)
      tpu.yield
    }) : () -> ()
    "tpu.region"() ({
      %run_scoped3A = tpu.sem_alloc : memref<!tpu.dma_semaphore, #tpu.memory_space<semaphore_mem>>
      %dma_start3A = arith.constant 0 : i32
      %dma_start3A_9 = tpu.memref_slice %arg10[%mul3A_2, %dma_start3A] : memref<10240x64xf32, #tpu.memory_space<vmem_shared>> -> memref<640x64xf32, #tpu.memory_space<vmem_shared>>
      %dma_start3A_10 = arith.constant 0 : i32
      %dma_start3A_11 = tpu.memref_slice %arg5[%mul3A_2, %dma_start3A_10] : memref<10240x64xf32, #tpu.memory_space<hbm>> -> memref<640x64xf32, #tpu.memory_space<hbm>>
      tpu.enqueue_dma source(%dma_start3A_11 : memref<640x64xf32, #tpu.memory_space<hbm>>) target(%dma_start3A_9 : memref<640x64xf32, #tpu.memory_space<vmem_shared>>) target_semaphore(%run_scoped3A : memref<!tpu.dma_semaphore, #tpu.memory_space<semaphore_mem>>)
      %dma_wait3A = arith.constant 0 : i32
      %dma_wait3A_12 = tpu.memref_slice %arg10[%mul3A_2, %dma_wait3A] : memref<10240x64xf32, #tpu.memory_space<vmem_shared>> -> memref<640x64xf32, #tpu.memory_space<vmem_shared>>
      %dma_wait3A_13 = arith.constant 0 : i32
      %dma_wait3A_14 = tpu.memref_slice %arg5[%mul3A_2, %dma_wait3A_13] : memref<10240x64xf32, #tpu.memory_space<hbm>> -> memref<640x64xf32, #tpu.memory_space<hbm>>
      tpu.wait_dma2 semaphore(%run_scoped3A : memref<!tpu.dma_semaphore, #tpu.memory_space<semaphore_mem>>) src(%dma_wait3A_14 : memref<640x64xf32, #tpu.memory_space<hbm>>) dst(%dma_wait3A_12 : memref<640x64xf32, #tpu.memory_space<vmem_shared>>)
      tpu.yield
    }) : () -> ()
    %barrier3A = arith.constant 0 : index
    tpu.barrier barrier_id(%barrier3A)
    %scan3A = arith.constant 0 : i32
    %scan3A_3 = arith.constant 0 : i32
    %scan3A_4 = arith.constant 80 : i32
    %scan3A_5 = arith.addi %scan3A_3, %scan3A_4 : i32
    %scan3A_6 = arith.constant 1 : i32
    scf.for %scan3A_9 = %scan3A_3 to %scan3A_5 step %scan3A_6  : i32 {
      %dma_start3A = arith.constant 0 : i32
      %dma_start3A_10 = tpu.memref_slice %arg7[%scan3A_9, %dma_start3A] : memref<80x128xi32, #tpu.memory_space<vmem>> -> memref<1x128xi32, #tpu.memory_space<vmem>>
      %dma_start3A_11 = tpu.memref_squeeze %dma_start3A_10 : memref<1x128xi32, #tpu.memory_space<vmem>> -> memref<128xi32, #tpu.memory_space<vmem>>
      %dma_start3A_12 = arith.constant 0 : i32
      %dma_start3A_13 = arith.constant 0 : i32
      %dma_start3A_14 = tpu.memref_slice %arg11[%dma_start3A_12, %dma_start3A_13] : memref<10240x64xf32, #tpu.memory_space<vmem_shared>> -> memref<10240x64xf32, #tpu.memory_space<vmem_shared>>
      tpu.enqueue_indirect_dma source(%dma_start3A_14 : memref<10240x64xf32, #tpu.memory_space<vmem_shared>>) target(%arg9 : memref<128x64xf32, #tpu.memory_space<vmem>>) offsets(%dma_start3A_11 : memref<128xi32, #tpu.memory_space<vmem>>) semaphore(%arg12 : memref<!tpu.dma_semaphore, #tpu.memory_space<semaphore_mem>>)
      %dma_wait3A = arith.constant 0 : i32
      %dma_wait3A_15 = tpu.memref_slice %arg7[%scan3A_9, %dma_wait3A] : memref<80x128xi32, #tpu.memory_space<vmem>> -> memref<1x128xi32, #tpu.memory_space<vmem>>
      %dma_wait3A_16 = tpu.memref_squeeze %dma_wait3A_15 : memref<1x128xi32, #tpu.memory_space<vmem>> -> memref<128xi32, #tpu.memory_space<vmem>>
      %dma_wait3A_17 = arith.constant 0 : i32
      %dma_wait3A_18 = arith.constant 0 : i32
      %dma_wait3A_19 = tpu.memref_slice %arg11[%dma_wait3A_17, %dma_wait3A_18] : memref<10240x64xf32, #tpu.memory_space<vmem_shared>> -> memref<10240x64xf32, #tpu.memory_space<vmem_shared>>
      tpu.wait_indirect_dma semaphore(%arg12 : memref<!tpu.dma_semaphore, #tpu.memory_space<semaphore_mem>>) src(%dma_wait3A_19 : memref<10240x64xf32, #tpu.memory_space<vmem_shared>>) dst(%arg9 : memref<128x64xf32, #tpu.memory_space<vmem>>)
      "tpu.region"() ({
        %run_scoped3A = tpu.sem_alloc : memref<!tpu.dma_semaphore, #tpu.memory_space<semaphore_mem>>
        %dma_start3A_20 = arith.constant 0 : i32
        %dma_start3A_21 = tpu.memref_slice %arg8[%scan3A_9, %dma_start3A_20] : memref<80x128xi32, #tpu.memory_space<vmem>> -> memref<1x128xi32, #tpu.memory_space<vmem>>
        %dma_start3A_22 = tpu.memref_squeeze %dma_start3A_21 : memref<1x128xi32, #tpu.memory_space<vmem>> -> memref<128xi32, #tpu.memory_space<vmem>>
        %dma_start3A_23 = arith.constant 0 : i32
        %dma_start3A_24 = arith.constant 0 : i32
        %dma_start3A_25 = tpu.memref_slice %arg10[%dma_start3A_23, %dma_start3A_24] : memref<10240x64xf32, #tpu.memory_space<vmem_shared>> -> memref<10240x64xf32, #tpu.memory_space<vmem_shared>>
        tpu.enqueue_indirect_dma source(%arg9 : memref<128x64xf32, #tpu.memory_space<vmem>>) target(%dma_start3A_25 : memref<10240x64xf32, #tpu.memory_space<vmem_shared>>) offsets(%dma_start3A_22 : memref<128xi32, #tpu.memory_space<vmem>>) semaphore(%run_scoped3A : memref<!tpu.dma_semaphore, #tpu.memory_space<semaphore_mem>>) {add = true}
        %dma_wait3A_26 = arith.constant 0 : i32
        %dma_wait3A_27 = tpu.memref_slice %arg8[%scan3A_9, %dma_wait3A_26] : memref<80x128xi32, #tpu.memory_space<vmem>> -> memref<1x128xi32, #tpu.memory_space<vmem>>
        %dma_wait3A_28 = tpu.memref_squeeze %dma_wait3A_27 : memref<1x128xi32, #tpu.memory_space<vmem>> -> memref<128xi32, #tpu.memory_space<vmem>>
        %dma_wait3A_29 = arith.constant 0 : i32
        %dma_wait3A_30 = arith.constant 0 : i32
        %dma_wait3A_31 = tpu.memref_slice %arg10[%dma_wait3A_29, %dma_wait3A_30] : memref<10240x64xf32, #tpu.memory_space<vmem_shared>> -> memref<10240x64xf32, #tpu.memory_space<vmem_shared>>
        tpu.wait_indirect_dma semaphore(%run_scoped3A : memref<!tpu.dma_semaphore, #tpu.memory_space<semaphore_mem>>) src(%arg9 : memref<128x64xf32, #tpu.memory_space<vmem>>) dst(%dma_wait3A_31 : memref<10240x64xf32, #tpu.memory_space<vmem_shared>>)
        tpu.yield
      }) : () -> ()
    }
    %scan3A_7 = arith.constant 80 : i32
    %barrier3A_8 = arith.constant 0 : index
    tpu.barrier barrier_id(%barrier3A_8)
    "tpu.region"() ({
      %run_scoped3A = tpu.sem_alloc : memref<!tpu.dma_semaphore, #tpu.memory_space<semaphore_mem>>
      %dma_start3A = arith.constant 0 : i32
      %dma_start3A_9 = arith.constant 0 : i32
      %dma_start3A_10 = tpu.memref_slice %arg6[%arg0, %dma_start3A, %dma_start3A_9] : memref<2x10240x64xf32, #tpu.memory_space<hbm>> -> memref<1x10240x64xf32, #tpu.memory_space<hbm>>
      %dma_start3A_11 = tpu.memref_squeeze %dma_start3A_10 : memref<1x10240x64xf32, #tpu.memory_space<hbm>> -> memref<10240x64xf32, #tpu.memory_space<hbm>>
      %dma_start3A_12 = arith.constant 0 : i32
      %dma_start3A_13 = tpu.memref_slice %dma_start3A_11[%mul3A_2, %dma_start3A_12] : memref<10240x64xf32, #tpu.memory_space<hbm>> -> memref<640x64xf32, #tpu.memory_space<hbm>>
      %dma_start3A_14 = arith.constant 0 : i32
      %dma_start3A_15 = tpu.memref_slice %arg10[%mul3A_2, %dma_start3A_14] : memref<10240x64xf32, #tpu.memory_space<vmem_shared>> -> memref<640x64xf32, #tpu.memory_space<vmem_shared>>
      tpu.enqueue_dma source(%dma_start3A_15 : memref<640x64xf32, #tpu.memory_space<vmem_shared>>) target(%dma_start3A_13 : memref<640x64xf32, #tpu.memory_space<hbm>>) target_semaphore(%run_scoped3A : memref<!tpu.dma_semaphore, #tpu.memory_space<semaphore_mem>>)
      %dma_wait3A = arith.constant 0 : i32
      %dma_wait3A_16 = arith.constant 0 : i32
      %dma_wait3A_17 = tpu.memref_slice %arg6[%arg0, %dma_wait3A, %dma_wait3A_16] : memref<2x10240x64xf32, #tpu.memory_space<hbm>> -> memref<1x10240x64xf32, #tpu.memory_space<hbm>>
      %dma_wait3A_18 = tpu.memref_squeeze %dma_wait3A_17 : memref<1x10240x64xf32, #tpu.memory_space<hbm>> -> memref<10240x64xf32, #tpu.memory_space<hbm>>
      %dma_wait3A_19 = arith.constant 0 : i32
      %dma_wait3A_20 = tpu.memref_slice %dma_wait3A_18[%mul3A_2, %dma_wait3A_19] : memref<10240x64xf32, #tpu.memory_space<hbm>> -> memref<640x64xf32, #tpu.memory_space<hbm>>
      %dma_wait3A_21 = arith.constant 0 : i32
      %dma_wait3A_22 = tpu.memref_slice %arg10[%mul3A_2, %dma_wait3A_21] : memref<10240x64xf32, #tpu.memory_space<vmem_shared>> -> memref<640x64xf32, #tpu.memory_space<vmem_shared>>
      tpu.wait_dma2 semaphore(%run_scoped3A : memref<!tpu.dma_semaphore, #tpu.memory_space<semaphore_mem>>) src(%dma_wait3A_22 : memref<640x64xf32, #tpu.memory_space<vmem_shared>>) dst(%dma_wait3A_20 : memref<640x64xf32, #tpu.memory_space<hbm>>)
      tpu.yield
    }) : () -> ()
    return
  }
}

#map = affine_map<(d0, d1) -> (0, 0)>
#map1 = affine_map<(d0, d1) -> (0, 0, 0)>
module attributes {stable_mosaic.version = 14 : i64} {
  func.func @body(%arg0: i32, %arg1: i32, %arg2: memref<10240x32xf32, #tpu.memory_space<hbm>>, %arg3: memref<32x80x128xi32, #tpu.memory_space<hbm>>, %arg4: memref<32x80x128xi32, #tpu.memory_space<hbm>>, %arg5: memref<10240x32xf32, #tpu.memory_space<hbm>>, %arg6: memref<2x10240x32xf32, #tpu.memory_space<hbm>>, %arg7: memref<80x128xi32, #tpu.memory_space<vmem>>, %arg8: memref<80x128xi32, #tpu.memory_space<vmem>>, %arg9: memref<128x32xf32, #tpu.memory_space<vmem>>, %arg10: memref<10240x32xf32, #tpu.memory_space<vmem_shared>>, %arg11: memref<10240x32xf32, #tpu.memory_space<vmem_shared>>, %arg12: memref<!tpu.dma_semaphore, #tpu.memory_space<semaphore_mem>>) attributes {dimension_semantics = [#tpu.dimension_semantics<core_parallel>, #tpu.dimension_semantics<subcore_parallel>], iteration_bounds = array<i64: 2, 16>, scalar_prefetch = 0 : i64, scratch_operands = 6 : i64, tpu.core_type = #tpu.core_type<sc_vector_subcore>, window_params = [{transform_indices = #map}, {transform_indices = #map1}, {transform_indices = #map1}, {transform_indices = #map}, {transform_indices = #map1}]} {
    %mul3A = arith.constant 2 : i32
    %mul3A_0 = arith.muli %arg1, %mul3A : i32
    %add3A = arith.addi %mul3A_0, %arg0 : i32
    %mul3A_1 = arith.constant 640 : i32
    %mul3A_2 = arith.muli %arg1, %mul3A_1 : i32
    "tpu.region"() ({
      %run_scoped3A = tpu.sem_alloc : memref<!tpu.dma_semaphore, #tpu.memory_space<semaphore_mem>>
      %dma_start3A = arith.constant 0 : i32
      %dma_start3A_9 = arith.constant 0 : i32
      %dma_start3A_10 = tpu.memref_slice %arg3[%add3A, %dma_start3A, %dma_start3A_9] : memref<32x80x128xi32, #tpu.memory_space<hbm>> -> memref<1x80x128xi32, #tpu.memory_space<hbm>>
      %dma_start3A_11 = tpu.memref_squeeze %dma_start3A_10 : memref<1x80x128xi32, #tpu.memory_space<hbm>> -> memref<80x128xi32, #tpu.memory_space<hbm>>
      %dma_start3A_12 = arith.constant 0 : i32
      %dma_start3A_13 = arith.constant 0 : i32
      %dma_start3A_14 = tpu.memref_slice %arg3[%add3A, %dma_start3A_12, %dma_start3A_13] : memref<32x80x128xi32, #tpu.memory_space<hbm>> -> memref<1x80x128xi32, #tpu.memory_space<hbm>>
      %dma_start3A_15 = tpu.memref_squeeze %dma_start3A_14 : memref<1x80x128xi32, #tpu.memory_space<hbm>> -> memref<80x128xi32, #tpu.memory_space<hbm>>
      tpu.enqueue_dma source(%dma_start3A_15 : memref<80x128xi32, #tpu.memory_space<hbm>>) target(%arg7 : memref<80x128xi32, #tpu.memory_space<vmem>>) target_semaphore(%run_scoped3A : memref<!tpu.dma_semaphore, #tpu.memory_space<semaphore_mem>>)
      %dma_wait3A = arith.constant 0 : i32
      %dma_wait3A_16 = arith.constant 0 : i32
      %dma_wait3A_17 = tpu.memref_slice %arg3[%add3A, %dma_wait3A, %dma_wait3A_16] : memref<32x80x128xi32, #tpu.memory_space<hbm>> -> memref<1x80x128xi32, #tpu.memory_space<hbm>>
      %dma_wait3A_18 = tpu.memref_squeeze %dma_wait3A_17 : memref<1x80x128xi32, #tpu.memory_space<hbm>> -> memref<80x128xi32, #tpu.memory_space<hbm>>
      %dma_wait3A_19 = arith.constant 0 : i32
      %dma_wait3A_20 = arith.constant 0 : i32
      %dma_wait3A_21 = tpu.memref_slice %arg3[%add3A, %dma_wait3A_19, %dma_wait3A_20] : memref<32x80x128xi32, #tpu.memory_space<hbm>> -> memref<1x80x128xi32, #tpu.memory_space<hbm>>
      %dma_wait3A_22 = tpu.memref_squeeze %dma_wait3A_21 : memref<1x80x128xi32, #tpu.memory_space<hbm>> -> memref<80x128xi32, #tpu.memory_space<hbm>>
      tpu.wait_dma2 semaphore(%run_scoped3A : memref<!tpu.dma_semaphore, #tpu.memory_space<semaphore_mem>>) src(%dma_wait3A_22 : memref<80x128xi32, #tpu.memory_space<hbm>>) dst(%arg7 : memref<80x128xi32, #tpu.memory_space<vmem>>)
      tpu.yield
    }) : () -> ()
    "tpu.region"() ({
      %run_scoped3A = tpu.sem_alloc : memref<!tpu.dma_semaphore, #tpu.memory_space<semaphore_mem>>
      %dma_start3A = arith.constant 0 : i32
      %dma_start3A_9 = arith.constant 0 : i32
      %dma_start3A_10 = tpu.memref_slice %arg4[%add3A, %dma_start3A, %dma_start3A_9] : memref<32x80x128xi32, #tpu.memory_space<hbm>> -> memref<1x80x128xi32, #tpu.memory_space<hbm>>
      %dma_start3A_11 = tpu.memref_squeeze %dma_start3A_10 : memref<1x80x128xi32, #tpu.memory_space<hbm>> -> memref<80x128xi32, #tpu.memory_space<hbm>>
      %dma_start3A_12 = arith.constant 0 : i32
      %dma_start3A_13 = arith.constant 0 : i32
      %dma_start3A_14 = tpu.memref_slice %arg4[%add3A, %dma_start3A_12, %dma_start3A_13] : memref<32x80x128xi32, #tpu.memory_space<hbm>> -> memref<1x80x128xi32, #tpu.memory_space<hbm>>
      %dma_start3A_15 = tpu.memref_squeeze %dma_start3A_14 : memref<1x80x128xi32, #tpu.memory_space<hbm>> -> memref<80x128xi32, #tpu.memory_space<hbm>>
      tpu.enqueue_dma source(%dma_start3A_15 : memref<80x128xi32, #tpu.memory_space<hbm>>) target(%arg8 : memref<80x128xi32, #tpu.memory_space<vmem>>) target_semaphore(%run_scoped3A : memref<!tpu.dma_semaphore, #tpu.memory_space<semaphore_mem>>)
      %dma_wait3A = arith.constant 0 : i32
      %dma_wait3A_16 = arith.constant 0 : i32
      %dma_wait3A_17 = tpu.memref_slice %arg4[%add3A, %dma_wait3A, %dma_wait3A_16] : memref<32x80x128xi32, #tpu.memory_space<hbm>> -> memref<1x80x128xi32, #tpu.memory_space<hbm>>
      %dma_wait3A_18 = tpu.memref_squeeze %dma_wait3A_17 : memref<1x80x128xi32, #tpu.memory_space<hbm>> -> memref<80x128xi32, #tpu.memory_space<hbm>>
      %dma_wait3A_19 = arith.constant 0 : i32
      %dma_wait3A_20 = arith.constant 0 : i32
      %dma_wait3A_21 = tpu.memref_slice %arg4[%add3A, %dma_wait3A_19, %dma_wait3A_20] : memref<32x80x128xi32, #tpu.memory_space<hbm>> -> memref<1x80x128xi32, #tpu.memory_space<hbm>>
      %dma_wait3A_22 = tpu.memref_squeeze %dma_wait3A_21 : memref<1x80x128xi32, #tpu.memory_space<hbm>> -> memref<80x128xi32, #tpu.memory_space<hbm>>
      tpu.wait_dma2 semaphore(%run_scoped3A : memref<!tpu.dma_semaphore, #tpu.memory_space<semaphore_mem>>) src(%dma_wait3A_22 : memref<80x128xi32, #tpu.memory_space<hbm>>) dst(%arg8 : memref<80x128xi32, #tpu.memory_space<vmem>>)
      tpu.yield
    }) : () -> ()
    "tpu.region"() ({
      %run_scoped3A = tpu.sem_alloc : memref<!tpu.dma_semaphore, #tpu.memory_space<semaphore_mem>>
      %dma_start3A = arith.constant 0 : i32
      %dma_start3A_9 = tpu.memref_slice %arg11[%mul3A_2, %dma_start3A] : memref<10240x32xf32, #tpu.memory_space<vmem_shared>> -> memref<640x32xf32, #tpu.memory_space<vmem_shared>>
      %dma_start3A_10 = arith.constant 0 : i32
      %dma_start3A_11 = tpu.memref_slice %arg2[%mul3A_2, %dma_start3A_10] : memref<10240x32xf32, #tpu.memory_space<hbm>> -> memref<640x32xf32, #tpu.memory_space<hbm>>
      tpu.enqueue_dma source(%dma_start3A_11 : memref<640x32xf32, #tpu.memory_space<hbm>>) target(%dma_start3A_9 : memref<640x32xf32, #tpu.memory_space<vmem_shared>>) target_semaphore(%run_scoped3A : memref<!tpu.dma_semaphore, #tpu.memory_space<semaphore_mem>>)
      %dma_wait3A = arith.constant 0 : i32
      %dma_wait3A_12 = tpu.memref_slice %arg11[%mul3A_2, %dma_wait3A] : memref<10240x32xf32, #tpu.memory_space<vmem_shared>> -> memref<640x32xf32, #tpu.memory_space<vmem_shared>>
      %dma_wait3A_13 = arith.constant 0 : i32
      %dma_wait3A_14 = tpu.memref_slice %arg2[%mul3A_2, %dma_wait3A_13] : memref<10240x32xf32, #tpu.memory_space<hbm>> -> memref<640x32xf32, #tpu.memory_space<hbm>>
      tpu.wait_dma2 semaphore(%run_scoped3A : memref<!tpu.dma_semaphore, #tpu.memory_space<semaphore_mem>>) src(%dma_wait3A_14 : memref<640x32xf32, #tpu.memory_space<hbm>>) dst(%dma_wait3A_12 : memref<640x32xf32, #tpu.memory_space<vmem_shared>>)
      tpu.yield
    }) : () -> ()
    "tpu.region"() ({
      %run_scoped3A = tpu.sem_alloc : memref<!tpu.dma_semaphore, #tpu.memory_space<semaphore_mem>>
      %dma_start3A = arith.constant 0 : i32
      %dma_start3A_9 = tpu.memref_slice %arg10[%mul3A_2, %dma_start3A] : memref<10240x32xf32, #tpu.memory_space<vmem_shared>> -> memref<640x32xf32, #tpu.memory_space<vmem_shared>>
      %dma_start3A_10 = arith.constant 0 : i32
      %dma_start3A_11 = tpu.memref_slice %arg5[%mul3A_2, %dma_start3A_10] : memref<10240x32xf32, #tpu.memory_space<hbm>> -> memref<640x32xf32, #tpu.memory_space<hbm>>
      tpu.enqueue_dma source(%dma_start3A_11 : memref<640x32xf32, #tpu.memory_space<hbm>>) target(%dma_start3A_9 : memref<640x32xf32, #tpu.memory_space<vmem_shared>>) target_semaphore(%run_scoped3A : memref<!tpu.dma_semaphore, #tpu.memory_space<semaphore_mem>>)
      %dma_wait3A = arith.constant 0 : i32
      %dma_wait3A_12 = tpu.memref_slice %arg10[%mul3A_2, %dma_wait3A] : memref<10240x32xf32, #tpu.memory_space<vmem_shared>> -> memref<640x32xf32, #tpu.memory_space<vmem_shared>>
      %dma_wait3A_13 = arith.constant 0 : i32
      %dma_wait3A_14 = tpu.memref_slice %arg5[%mul3A_2, %dma_wait3A_13] : memref<10240x32xf32, #tpu.memory_space<hbm>> -> memref<640x32xf32, #tpu.memory_space<hbm>>
      tpu.wait_dma2 semaphore(%run_scoped3A : memref<!tpu.dma_semaphore, #tpu.memory_space<semaphore_mem>>) src(%dma_wait3A_14 : memref<640x32xf32, #tpu.memory_space<hbm>>) dst(%dma_wait3A_12 : memref<640x32xf32, #tpu.memory_space<vmem_shared>>)
      tpu.yield
    }) : () -> ()
    %barrier3A = arith.constant 0 : index
    tpu.barrier barrier_id(%barrier3A)
    %scan3A = arith.constant 0 : i32
    %scan3A_3 = arith.constant 0 : i32
    %scan3A_4 = arith.constant 80 : i32
    %scan3A_5 = arith.addi %scan3A_3, %scan3A_4 : i32
    %scan3A_6 = arith.constant 1 : i32
    scf.for %scan3A_9 = %scan3A_3 to %scan3A_5 step %scan3A_6  : i32 {
      %dma_start3A = arith.constant 0 : i32
      %dma_start3A_10 = tpu.memref_slice %arg7[%scan3A_9, %dma_start3A] : memref<80x128xi32, #tpu.memory_space<vmem>> -> memref<1x128xi32, #tpu.memory_space<vmem>>
      %dma_start3A_11 = tpu.memref_squeeze %dma_start3A_10 : memref<1x128xi32, #tpu.memory_space<vmem>> -> memref<128xi32, #tpu.memory_space<vmem>>
      %dma_start3A_12 = arith.constant 0 : i32
      %dma_start3A_13 = arith.constant 0 : i32
      %dma_start3A_14 = tpu.memref_slice %arg11[%dma_start3A_12, %dma_start3A_13] : memref<10240x32xf32, #tpu.memory_space<vmem_shared>> -> memref<10240x32xf32, #tpu.memory_space<vmem_shared>>
      tpu.enqueue_indirect_dma source(%dma_start3A_14 : memref<10240x32xf32, #tpu.memory_space<vmem_shared>>) target(%arg9 : memref<128x32xf32, #tpu.memory_space<vmem>>) offsets(%dma_start3A_11 : memref<128xi32, #tpu.memory_space<vmem>>) semaphore(%arg12 : memref<!tpu.dma_semaphore, #tpu.memory_space<semaphore_mem>>)
      %dma_wait3A = arith.constant 0 : i32
      %dma_wait3A_15 = tpu.memref_slice %arg7[%scan3A_9, %dma_wait3A] : memref<80x128xi32, #tpu.memory_space<vmem>> -> memref<1x128xi32, #tpu.memory_space<vmem>>
      %dma_wait3A_16 = tpu.memref_squeeze %dma_wait3A_15 : memref<1x128xi32, #tpu.memory_space<vmem>> -> memref<128xi32, #tpu.memory_space<vmem>>
      %dma_wait3A_17 = arith.constant 0 : i32
      %dma_wait3A_18 = arith.constant 0 : i32
      %dma_wait3A_19 = tpu.memref_slice %arg11[%dma_wait3A_17, %dma_wait3A_18] : memref<10240x32xf32, #tpu.memory_space<vmem_shared>> -> memref<10240x32xf32, #tpu.memory_space<vmem_shared>>
      tpu.wait_indirect_dma semaphore(%arg12 : memref<!tpu.dma_semaphore, #tpu.memory_space<semaphore_mem>>) src(%dma_wait3A_19 : memref<10240x32xf32, #tpu.memory_space<vmem_shared>>) dst(%arg9 : memref<128x32xf32, #tpu.memory_space<vmem>>)
      "tpu.region"() ({
        %run_scoped3A = tpu.sem_alloc : memref<!tpu.dma_semaphore, #tpu.memory_space<semaphore_mem>>
        %dma_start3A_20 = arith.constant 0 : i32
        %dma_start3A_21 = tpu.memref_slice %arg8[%scan3A_9, %dma_start3A_20] : memref<80x128xi32, #tpu.memory_space<vmem>> -> memref<1x128xi32, #tpu.memory_space<vmem>>
        %dma_start3A_22 = tpu.memref_squeeze %dma_start3A_21 : memref<1x128xi32, #tpu.memory_space<vmem>> -> memref<128xi32, #tpu.memory_space<vmem>>
        %dma_start3A_23 = arith.constant 0 : i32
        %dma_start3A_24 = arith.constant 0 : i32
        %dma_start3A_25 = tpu.memref_slice %arg10[%dma_start3A_23, %dma_start3A_24] : memref<10240x32xf32, #tpu.memory_space<vmem_shared>> -> memref<10240x32xf32, #tpu.memory_space<vmem_shared>>
        tpu.enqueue_indirect_dma source(%arg9 : memref<128x32xf32, #tpu.memory_space<vmem>>) target(%dma_start3A_25 : memref<10240x32xf32, #tpu.memory_space<vmem_shared>>) offsets(%dma_start3A_22 : memref<128xi32, #tpu.memory_space<vmem>>) semaphore(%run_scoped3A : memref<!tpu.dma_semaphore, #tpu.memory_space<semaphore_mem>>) {add = true}
        %dma_wait3A_26 = arith.constant 0 : i32
        %dma_wait3A_27 = tpu.memref_slice %arg8[%scan3A_9, %dma_wait3A_26] : memref<80x128xi32, #tpu.memory_space<vmem>> -> memref<1x128xi32, #tpu.memory_space<vmem>>
        %dma_wait3A_28 = tpu.memref_squeeze %dma_wait3A_27 : memref<1x128xi32, #tpu.memory_space<vmem>> -> memref<128xi32, #tpu.memory_space<vmem>>
        %dma_wait3A_29 = arith.constant 0 : i32
        %dma_wait3A_30 = arith.constant 0 : i32
        %dma_wait3A_31 = tpu.memref_slice %arg10[%dma_wait3A_29, %dma_wait3A_30] : memref<10240x32xf32, #tpu.memory_space<vmem_shared>> -> memref<10240x32xf32, #tpu.memory_space<vmem_shared>>
        tpu.wait_indirect_dma semaphore(%run_scoped3A : memref<!tpu.dma_semaphore, #tpu.memory_space<semaphore_mem>>) src(%arg9 : memref<128x32xf32, #tpu.memory_space<vmem>>) dst(%dma_wait3A_31 : memref<10240x32xf32, #tpu.memory_space<vmem_shared>>)
        tpu.yield
      }) : () -> ()
    }
    %scan3A_7 = arith.constant 80 : i32
    %barrier3A_8 = arith.constant 0 : index
    tpu.barrier barrier_id(%barrier3A_8)
    "tpu.region"() ({
      %run_scoped3A = tpu.sem_alloc : memref<!tpu.dma_semaphore, #tpu.memory_space<semaphore_mem>>
      %dma_start3A = arith.constant 0 : i32
      %dma_start3A_9 = arith.constant 0 : i32
      %dma_start3A_10 = tpu.memref_slice %arg6[%arg0, %dma_start3A, %dma_start3A_9] : memref<2x10240x32xf32, #tpu.memory_space<hbm>> -> memref<1x10240x32xf32, #tpu.memory_space<hbm>>
      %dma_start3A_11 = tpu.memref_squeeze %dma_start3A_10 : memref<1x10240x32xf32, #tpu.memory_space<hbm>> -> memref<10240x32xf32, #tpu.memory_space<hbm>>
      %dma_start3A_12 = arith.constant 0 : i32
      %dma_start3A_13 = tpu.memref_slice %dma_start3A_11[%mul3A_2, %dma_start3A_12] : memref<10240x32xf32, #tpu.memory_space<hbm>> -> memref<640x32xf32, #tpu.memory_space<hbm>>
      %dma_start3A_14 = arith.constant 0 : i32
      %dma_start3A_15 = tpu.memref_slice %arg10[%mul3A_2, %dma_start3A_14] : memref<10240x32xf32, #tpu.memory_space<vmem_shared>> -> memref<640x32xf32, #tpu.memory_space<vmem_shared>>
      tpu.enqueue_dma source(%dma_start3A_15 : memref<640x32xf32, #tpu.memory_space<vmem_shared>>) target(%dma_start3A_13 : memref<640x32xf32, #tpu.memory_space<hbm>>) target_semaphore(%run_scoped3A : memref<!tpu.dma_semaphore, #tpu.memory_space<semaphore_mem>>)
      %dma_wait3A = arith.constant 0 : i32
      %dma_wait3A_16 = arith.constant 0 : i32
      %dma_wait3A_17 = tpu.memref_slice %arg6[%arg0, %dma_wait3A, %dma_wait3A_16] : memref<2x10240x32xf32, #tpu.memory_space<hbm>> -> memref<1x10240x32xf32, #tpu.memory_space<hbm>>
      %dma_wait3A_18 = tpu.memref_squeeze %dma_wait3A_17 : memref<1x10240x32xf32, #tpu.memory_space<hbm>> -> memref<10240x32xf32, #tpu.memory_space<hbm>>
      %dma_wait3A_19 = arith.constant 0 : i32
      %dma_wait3A_20 = tpu.memref_slice %dma_wait3A_18[%mul3A_2, %dma_wait3A_19] : memref<10240x32xf32, #tpu.memory_space<hbm>> -> memref<640x32xf32, #tpu.memory_space<hbm>>
      %dma_wait3A_21 = arith.constant 0 : i32
      %dma_wait3A_22 = tpu.memref_slice %arg10[%mul3A_2, %dma_wait3A_21] : memref<10240x32xf32, #tpu.memory_space<vmem_shared>> -> memref<640x32xf32, #tpu.memory_space<vmem_shared>>
      tpu.wait_dma2 semaphore(%run_scoped3A : memref<!tpu.dma_semaphore, #tpu.memory_space<semaphore_mem>>) src(%dma_wait3A_22 : memref<640x32xf32, #tpu.memory_space<vmem_shared>>) dst(%dma_wait3A_20 : memref<640x32xf32, #tpu.memory_space<hbm>>)
      tpu.yield
    }) : () -> ()
    return
  }
}

#map = affine_map<(d0, d1) -> (0, 0)>
#map1 = affine_map<(d0, d1) -> (0, 0, 0)>
module attributes {stable_mosaic.version = 14 : i64} {
  func.func @body(%arg0: i32, %arg1: i32, %arg2: memref<10240x16xf32, #tpu.memory_space<hbm>>, %arg3: memref<32x80x128xi32, #tpu.memory_space<hbm>>, %arg4: memref<32x80x128xi32, #tpu.memory_space<hbm>>, %arg5: memref<10240x16xf32, #tpu.memory_space<hbm>>, %arg6: memref<2x10240x16xf32, #tpu.memory_space<hbm>>, %arg7: memref<80x128xi32, #tpu.memory_space<vmem>>, %arg8: memref<80x128xi32, #tpu.memory_space<vmem>>, %arg9: memref<128x16xf32, #tpu.memory_space<vmem>>, %arg10: memref<10240x16xf32, #tpu.memory_space<vmem_shared>>, %arg11: memref<10240x16xf32, #tpu.memory_space<vmem_shared>>, %arg12: memref<!tpu.dma_semaphore, #tpu.memory_space<semaphore_mem>>) attributes {dimension_semantics = [#tpu.dimension_semantics<core_parallel>, #tpu.dimension_semantics<subcore_parallel>], iteration_bounds = array<i64: 2, 16>, scalar_prefetch = 0 : i64, scratch_operands = 6 : i64, tpu.core_type = #tpu.core_type<sc_vector_subcore>, window_params = [{transform_indices = #map}, {transform_indices = #map1}, {transform_indices = #map1}, {transform_indices = #map}, {transform_indices = #map1}]} {
    %mul3A = arith.constant 2 : i32
    %mul3A_0 = arith.muli %arg1, %mul3A : i32
    %add3A = arith.addi %mul3A_0, %arg0 : i32
    %mul3A_1 = arith.constant 640 : i32
    %mul3A_2 = arith.muli %arg1, %mul3A_1 : i32
    "tpu.region"() ({
      %run_scoped3A = tpu.sem_alloc : memref<!tpu.dma_semaphore, #tpu.memory_space<semaphore_mem>>
      %dma_start3A = arith.constant 0 : i32
      %dma_start3A_9 = arith.constant 0 : i32
      %dma_start3A_10 = tpu.memref_slice %arg3[%add3A, %dma_start3A, %dma_start3A_9] : memref<32x80x128xi32, #tpu.memory_space<hbm>> -> memref<1x80x128xi32, #tpu.memory_space<hbm>>
      %dma_start3A_11 = tpu.memref_squeeze %dma_start3A_10 : memref<1x80x128xi32, #tpu.memory_space<hbm>> -> memref<80x128xi32, #tpu.memory_space<hbm>>
      %dma_start3A_12 = arith.constant 0 : i32
      %dma_start3A_13 = arith.constant 0 : i32
      %dma_start3A_14 = tpu.memref_slice %arg3[%add3A, %dma_start3A_12, %dma_start3A_13] : memref<32x80x128xi32, #tpu.memory_space<hbm>> -> memref<1x80x128xi32, #tpu.memory_space<hbm>>
      %dma_start3A_15 = tpu.memref_squeeze %dma_start3A_14 : memref<1x80x128xi32, #tpu.memory_space<hbm>> -> memref<80x128xi32, #tpu.memory_space<hbm>>
      tpu.enqueue_dma source(%dma_start3A_15 : memref<80x128xi32, #tpu.memory_space<hbm>>) target(%arg7 : memref<80x128xi32, #tpu.memory_space<vmem>>) target_semaphore(%run_scoped3A : memref<!tpu.dma_semaphore, #tpu.memory_space<semaphore_mem>>)
      %dma_wait3A = arith.constant 0 : i32
      %dma_wait3A_16 = arith.constant 0 : i32
      %dma_wait3A_17 = tpu.memref_slice %arg3[%add3A, %dma_wait3A, %dma_wait3A_16] : memref<32x80x128xi32, #tpu.memory_space<hbm>> -> memref<1x80x128xi32, #tpu.memory_space<hbm>>
      %dma_wait3A_18 = tpu.memref_squeeze %dma_wait3A_17 : memref<1x80x128xi32, #tpu.memory_space<hbm>> -> memref<80x128xi32, #tpu.memory_space<hbm>>
      %dma_wait3A_19 = arith.constant 0 : i32
      %dma_wait3A_20 = arith.constant 0 : i32
      %dma_wait3A_21 = tpu.memref_slice %arg3[%add3A, %dma_wait3A_19, %dma_wait3A_20] : memref<32x80x128xi32, #tpu.memory_space<hbm>> -> memref<1x80x128xi32, #tpu.memory_space<hbm>>
      %dma_wait3A_22 = tpu.memref_squeeze %dma_wait3A_21 : memref<1x80x128xi32, #tpu.memory_space<hbm>> -> memref<80x128xi32, #tpu.memory_space<hbm>>
      tpu.wait_dma2 semaphore(%run_scoped3A : memref<!tpu.dma_semaphore, #tpu.memory_space<semaphore_mem>>) src(%dma_wait3A_22 : memref<80x128xi32, #tpu.memory_space<hbm>>) dst(%arg7 : memref<80x128xi32, #tpu.memory_space<vmem>>)
      tpu.yield
    }) : () -> ()
    "tpu.region"() ({
      %run_scoped3A = tpu.sem_alloc : memref<!tpu.dma_semaphore, #tpu.memory_space<semaphore_mem>>
      %dma_start3A = arith.constant 0 : i32
      %dma_start3A_9 = arith.constant 0 : i32
      %dma_start3A_10 = tpu.memref_slice %arg4[%add3A, %dma_start3A, %dma_start3A_9] : memref<32x80x128xi32, #tpu.memory_space<hbm>> -> memref<1x80x128xi32, #tpu.memory_space<hbm>>
      %dma_start3A_11 = tpu.memref_squeeze %dma_start3A_10 : memref<1x80x128xi32, #tpu.memory_space<hbm>> -> memref<80x128xi32, #tpu.memory_space<hbm>>
      %dma_start3A_12 = arith.constant 0 : i32
      %dma_start3A_13 = arith.constant 0 : i32
      %dma_start3A_14 = tpu.memref_slice %arg4[%add3A, %dma_start3A_12, %dma_start3A_13] : memref<32x80x128xi32, #tpu.memory_space<hbm>> -> memref<1x80x128xi32, #tpu.memory_space<hbm>>
      %dma_start3A_15 = tpu.memref_squeeze %dma_start3A_14 : memref<1x80x128xi32, #tpu.memory_space<hbm>> -> memref<80x128xi32, #tpu.memory_space<hbm>>
      tpu.enqueue_dma source(%dma_start3A_15 : memref<80x128xi32, #tpu.memory_space<hbm>>) target(%arg8 : memref<80x128xi32, #tpu.memory_space<vmem>>) target_semaphore(%run_scoped3A : memref<!tpu.dma_semaphore, #tpu.memory_space<semaphore_mem>>)
      %dma_wait3A = arith.constant 0 : i32
      %dma_wait3A_16 = arith.constant 0 : i32
      %dma_wait3A_17 = tpu.memref_slice %arg4[%add3A, %dma_wait3A, %dma_wait3A_16] : memref<32x80x128xi32, #tpu.memory_space<hbm>> -> memref<1x80x128xi32, #tpu.memory_space<hbm>>
      %dma_wait3A_18 = tpu.memref_squeeze %dma_wait3A_17 : memref<1x80x128xi32, #tpu.memory_space<hbm>> -> memref<80x128xi32, #tpu.memory_space<hbm>>
      %dma_wait3A_19 = arith.constant 0 : i32
      %dma_wait3A_20 = arith.constant 0 : i32
      %dma_wait3A_21 = tpu.memref_slice %arg4[%add3A, %dma_wait3A_19, %dma_wait3A_20] : memref<32x80x128xi32, #tpu.memory_space<hbm>> -> memref<1x80x128xi32, #tpu.memory_space<hbm>>
      %dma_wait3A_22 = tpu.memref_squeeze %dma_wait3A_21 : memref<1x80x128xi32, #tpu.memory_space<hbm>> -> memref<80x128xi32, #tpu.memory_space<hbm>>
      tpu.wait_dma2 semaphore(%run_scoped3A : memref<!tpu.dma_semaphore, #tpu.memory_space<semaphore_mem>>) src(%dma_wait3A_22 : memref<80x128xi32, #tpu.memory_space<hbm>>) dst(%arg8 : memref<80x128xi32, #tpu.memory_space<vmem>>)
      tpu.yield
    }) : () -> ()
    "tpu.region"() ({
      %run_scoped3A = tpu.sem_alloc : memref<!tpu.dma_semaphore, #tpu.memory_space<semaphore_mem>>
      %dma_start3A = arith.constant 0 : i32
      %dma_start3A_9 = tpu.memref_slice %arg11[%mul3A_2, %dma_start3A] : memref<10240x16xf32, #tpu.memory_space<vmem_shared>> -> memref<640x16xf32, #tpu.memory_space<vmem_shared>>
      %dma_start3A_10 = arith.constant 0 : i32
      %dma_start3A_11 = tpu.memref_slice %arg2[%mul3A_2, %dma_start3A_10] : memref<10240x16xf32, #tpu.memory_space<hbm>> -> memref<640x16xf32, #tpu.memory_space<hbm>>
      tpu.enqueue_dma source(%dma_start3A_11 : memref<640x16xf32, #tpu.memory_space<hbm>>) target(%dma_start3A_9 : memref<640x16xf32, #tpu.memory_space<vmem_shared>>) target_semaphore(%run_scoped3A : memref<!tpu.dma_semaphore, #tpu.memory_space<semaphore_mem>>)
      %dma_wait3A = arith.constant 0 : i32
      %dma_wait3A_12 = tpu.memref_slice %arg11[%mul3A_2, %dma_wait3A] : memref<10240x16xf32, #tpu.memory_space<vmem_shared>> -> memref<640x16xf32, #tpu.memory_space<vmem_shared>>
      %dma_wait3A_13 = arith.constant 0 : i32
      %dma_wait3A_14 = tpu.memref_slice %arg2[%mul3A_2, %dma_wait3A_13] : memref<10240x16xf32, #tpu.memory_space<hbm>> -> memref<640x16xf32, #tpu.memory_space<hbm>>
      tpu.wait_dma2 semaphore(%run_scoped3A : memref<!tpu.dma_semaphore, #tpu.memory_space<semaphore_mem>>) src(%dma_wait3A_14 : memref<640x16xf32, #tpu.memory_space<hbm>>) dst(%dma_wait3A_12 : memref<640x16xf32, #tpu.memory_space<vmem_shared>>)
      tpu.yield
    }) : () -> ()
    "tpu.region"() ({
      %run_scoped3A = tpu.sem_alloc : memref<!tpu.dma_semaphore, #tpu.memory_space<semaphore_mem>>
      %dma_start3A = arith.constant 0 : i32
      %dma_start3A_9 = tpu.memref_slice %arg10[%mul3A_2, %dma_start3A] : memref<10240x16xf32, #tpu.memory_space<vmem_shared>> -> memref<640x16xf32, #tpu.memory_space<vmem_shared>>
      %dma_start3A_10 = arith.constant 0 : i32
      %dma_start3A_11 = tpu.memref_slice %arg5[%mul3A_2, %dma_start3A_10] : memref<10240x16xf32, #tpu.memory_space<hbm>> -> memref<640x16xf32, #tpu.memory_space<hbm>>
      tpu.enqueue_dma source(%dma_start3A_11 : memref<640x16xf32, #tpu.memory_space<hbm>>) target(%dma_start3A_9 : memref<640x16xf32, #tpu.memory_space<vmem_shared>>) target_semaphore(%run_scoped3A : memref<!tpu.dma_semaphore, #tpu.memory_space<semaphore_mem>>)
      %dma_wait3A = arith.constant 0 : i32
      %dma_wait3A_12 = tpu.memref_slice %arg10[%mul3A_2, %dma_wait3A] : memref<10240x16xf32, #tpu.memory_space<vmem_shared>> -> memref<640x16xf32, #tpu.memory_space<vmem_shared>>
      %dma_wait3A_13 = arith.constant 0 : i32
      %dma_wait3A_14 = tpu.memref_slice %arg5[%mul3A_2, %dma_wait3A_13] : memref<10240x16xf32, #tpu.memory_space<hbm>> -> memref<640x16xf32, #tpu.memory_space<hbm>>
      tpu.wait_dma2 semaphore(%run_scoped3A : memref<!tpu.dma_semaphore, #tpu.memory_space<semaphore_mem>>) src(%dma_wait3A_14 : memref<640x16xf32, #tpu.memory_space<hbm>>) dst(%dma_wait3A_12 : memref<640x16xf32, #tpu.memory_space<vmem_shared>>)
      tpu.yield
    }) : () -> ()
    %barrier3A = arith.constant 0 : index
    tpu.barrier barrier_id(%barrier3A)
    %scan3A = arith.constant 0 : i32
    %scan3A_3 = arith.constant 0 : i32
    %scan3A_4 = arith.constant 80 : i32
    %scan3A_5 = arith.addi %scan3A_3, %scan3A_4 : i32
    %scan3A_6 = arith.constant 1 : i32
    scf.for %scan3A_9 = %scan3A_3 to %scan3A_5 step %scan3A_6  : i32 {
      %dma_start3A = arith.constant 0 : i32
      %dma_start3A_10 = tpu.memref_slice %arg7[%scan3A_9, %dma_start3A] : memref<80x128xi32, #tpu.memory_space<vmem>> -> memref<1x128xi32, #tpu.memory_space<vmem>>
      %dma_start3A_11 = tpu.memref_squeeze %dma_start3A_10 : memref<1x128xi32, #tpu.memory_space<vmem>> -> memref<128xi32, #tpu.memory_space<vmem>>
      %dma_start3A_12 = arith.constant 0 : i32
      %dma_start3A_13 = arith.constant 0 : i32
      %dma_start3A_14 = tpu.memref_slice %arg11[%dma_start3A_12, %dma_start3A_13] : memref<10240x16xf32, #tpu.memory_space<vmem_shared>> -> memref<10240x16xf32, #tpu.memory_space<vmem_shared>>
      tpu.enqueue_indirect_dma source(%dma_start3A_14 : memref<10240x16xf32, #tpu.memory_space<vmem_shared>>) target(%arg9 : memref<128x16xf32, #tpu.memory_space<vmem>>) offsets(%dma_start3A_11 : memref<128xi32, #tpu.memory_space<vmem>>) semaphore(%arg12 : memref<!tpu.dma_semaphore, #tpu.memory_space<semaphore_mem>>)
      %dma_wait3A = arith.constant 0 : i32
      %dma_wait3A_15 = tpu.memref_slice %arg7[%scan3A_9, %dma_wait3A] : memref<80x128xi32, #tpu.memory_space<vmem>> -> memref<1x128xi32, #tpu.memory_space<vmem>>
      %dma_wait3A_16 = tpu.memref_squeeze %dma_wait3A_15 : memref<1x128xi32, #tpu.memory_space<vmem>> -> memref<128xi32, #tpu.memory_space<vmem>>
      %dma_wait3A_17 = arith.constant 0 : i32
      %dma_wait3A_18 = arith.constant 0 : i32
      %dma_wait3A_19 = tpu.memref_slice %arg11[%dma_wait3A_17, %dma_wait3A_18] : memref<10240x16xf32, #tpu.memory_space<vmem_shared>> -> memref<10240x16xf32, #tpu.memory_space<vmem_shared>>
      tpu.wait_indirect_dma semaphore(%arg12 : memref<!tpu.dma_semaphore, #tpu.memory_space<semaphore_mem>>) src(%dma_wait3A_19 : memref<10240x16xf32, #tpu.memory_space<vmem_shared>>) dst(%arg9 : memref<128x16xf32, #tpu.memory_space<vmem>>)
      "tpu.region"() ({
        %run_scoped3A = tpu.sem_alloc : memref<!tpu.dma_semaphore, #tpu.memory_space<semaphore_mem>>
        %dma_start3A_20 = arith.constant 0 : i32
        %dma_start3A_21 = tpu.memref_slice %arg8[%scan3A_9, %dma_start3A_20] : memref<80x128xi32, #tpu.memory_space<vmem>> -> memref<1x128xi32, #tpu.memory_space<vmem>>
        %dma_start3A_22 = tpu.memref_squeeze %dma_start3A_21 : memref<1x128xi32, #tpu.memory_space<vmem>> -> memref<128xi32, #tpu.memory_space<vmem>>
        %dma_start3A_23 = arith.constant 0 : i32
        %dma_start3A_24 = arith.constant 0 : i32
        %dma_start3A_25 = tpu.memref_slice %arg10[%dma_start3A_23, %dma_start3A_24] : memref<10240x16xf32, #tpu.memory_space<vmem_shared>> -> memref<10240x16xf32, #tpu.memory_space<vmem_shared>>
        tpu.enqueue_indirect_dma source(%arg9 : memref<128x16xf32, #tpu.memory_space<vmem>>) target(%dma_start3A_25 : memref<10240x16xf32, #tpu.memory_space<vmem_shared>>) offsets(%dma_start3A_22 : memref<128xi32, #tpu.memory_space<vmem>>) semaphore(%run_scoped3A : memref<!tpu.dma_semaphore, #tpu.memory_space<semaphore_mem>>) {add = true}
        %dma_wait3A_26 = arith.constant 0 : i32
        %dma_wait3A_27 = tpu.memref_slice %arg8[%scan3A_9, %dma_wait3A_26] : memref<80x128xi32, #tpu.memory_space<vmem>> -> memref<1x128xi32, #tpu.memory_space<vmem>>
        %dma_wait3A_28 = tpu.memref_squeeze %dma_wait3A_27 : memref<1x128xi32, #tpu.memory_space<vmem>> -> memref<128xi32, #tpu.memory_space<vmem>>
        %dma_wait3A_29 = arith.constant 0 : i32
        %dma_wait3A_30 = arith.constant 0 : i32
        %dma_wait3A_31 = tpu.memref_slice %arg10[%dma_wait3A_29, %dma_wait3A_30] : memref<10240x16xf32, #tpu.memory_space<vmem_shared>> -> memref<10240x16xf32, #tpu.memory_space<vmem_shared>>
        tpu.wait_indirect_dma semaphore(%run_scoped3A : memref<!tpu.dma_semaphore, #tpu.memory_space<semaphore_mem>>) src(%arg9 : memref<128x16xf32, #tpu.memory_space<vmem>>) dst(%dma_wait3A_31 : memref<10240x16xf32, #tpu.memory_space<vmem_shared>>)
        tpu.yield
      }) : () -> ()
    }
    %scan3A_7 = arith.constant 80 : i32
    %barrier3A_8 = arith.constant 0 : index
    tpu.barrier barrier_id(%barrier3A_8)
    "tpu.region"() ({
      %run_scoped3A = tpu.sem_alloc : memref<!tpu.dma_semaphore, #tpu.memory_space<semaphore_mem>>
      %dma_start3A = arith.constant 0 : i32
      %dma_start3A_9 = arith.constant 0 : i32
      %dma_start3A_10 = tpu.memref_slice %arg6[%arg0, %dma_start3A, %dma_start3A_9] : memref<2x10240x16xf32, #tpu.memory_space<hbm>> -> memref<1x10240x16xf32, #tpu.memory_space<hbm>>
      %dma_start3A_11 = tpu.memref_squeeze %dma_start3A_10 : memref<1x10240x16xf32, #tpu.memory_space<hbm>> -> memref<10240x16xf32, #tpu.memory_space<hbm>>
      %dma_start3A_12 = arith.constant 0 : i32
      %dma_start3A_13 = tpu.memref_slice %dma_start3A_11[%mul3A_2, %dma_start3A_12] : memref<10240x16xf32, #tpu.memory_space<hbm>> -> memref<640x16xf32, #tpu.memory_space<hbm>>
      %dma_start3A_14 = arith.constant 0 : i32
      %dma_start3A_15 = tpu.memref_slice %arg10[%mul3A_2, %dma_start3A_14] : memref<10240x16xf32, #tpu.memory_space<vmem_shared>> -> memref<640x16xf32, #tpu.memory_space<vmem_shared>>
      tpu.enqueue_dma source(%dma_start3A_15 : memref<640x16xf32, #tpu.memory_space<vmem_shared>>) target(%dma_start3A_13 : memref<640x16xf32, #tpu.memory_space<hbm>>) target_semaphore(%run_scoped3A : memref<!tpu.dma_semaphore, #tpu.memory_space<semaphore_mem>>)
      %dma_wait3A = arith.constant 0 : i32
      %dma_wait3A_16 = arith.constant 0 : i32
      %dma_wait3A_17 = tpu.memref_slice %arg6[%arg0, %dma_wait3A, %dma_wait3A_16] : memref<2x10240x16xf32, #tpu.memory_space<hbm>> -> memref<1x10240x16xf32, #tpu.memory_space<hbm>>
      %dma_wait3A_18 = tpu.memref_squeeze %dma_wait3A_17 : memref<1x10240x16xf32, #tpu.memory_space<hbm>> -> memref<10240x16xf32, #tpu.memory_space<hbm>>
      %dma_wait3A_19 = arith.constant 0 : i32
      %dma_wait3A_20 = tpu.memref_slice %dma_wait3A_18[%mul3A_2, %dma_wait3A_19] : memref<10240x16xf32, #tpu.memory_space<hbm>> -> memref<640x16xf32, #tpu.memory_space<hbm>>
      %dma_wait3A_21 = arith.constant 0 : i32
      %dma_wait3A_22 = tpu.memref_slice %arg10[%mul3A_2, %dma_wait3A_21] : memref<10240x16xf32, #tpu.memory_space<vmem_shared>> -> memref<640x16xf32, #tpu.memory_space<vmem_shared>>
      tpu.wait_dma2 semaphore(%run_scoped3A : memref<!tpu.dma_semaphore, #tpu.memory_space<semaphore_mem>>) src(%dma_wait3A_22 : memref<640x16xf32, #tpu.memory_space<vmem_shared>>) dst(%dma_wait3A_20 : memref<640x16xf32, #tpu.memory_space<hbm>>)
      tpu.yield
    }) : () -> ()
    return
  }
}

module attributes {stable_mosaic.version = 14 : i64} {
  func.func @body(%arg0: i32, %arg1: memref<2048x128xf32, #tpu.memory_space<vmem>>, %arg2: memref<128x96xf32, #tpu.memory_space<vmem>>, %arg3: memref<128x96xf32, #tpu.memory_space<vmem>>, %arg4: memref<1x96xf32, #tpu.memory_space<vmem>>, %arg5: memref<2048x96xf32, #tpu.memory_space<vmem>>, %arg6: memref<2048x96xf32, #tpu.memory_space<vmem>>) attributes {dimension_semantics = [#tpu.dimension_semantics<arbitrary>], iteration_bounds = array<i64: 5>, scalar_prefetch = 0 : i64, scratch_operands = 0 : i64, tpu.core_type = #tpu.core_type<tc>, window_params = [{transform_indices = @transform_0, window_bounds = array<i64: 2048, 128>}, {pipeline_mode = #tpu.pipeline_mode<synchronous>, transform_indices = @transform_1, window_bounds = array<i64: 128, 96>}, {pipeline_mode = #tpu.pipeline_mode<synchronous>, transform_indices = @transform_2, window_bounds = array<i64: 128, 96>}, {pipeline_mode = #tpu.pipeline_mode<synchronous>, transform_indices = @transform_3, window_bounds = array<i64: 1, 96>}, {transform_indices = @transform_4, window_bounds = array<i64: 2048, 96>}, {transform_indices = @transform_5, window_bounds = array<i64: 2048, 96>}]} {
    %get3A = arith.constant 0 : index
    %get3A_0 = arith.constant 0 : index
    %get3A_1 = vector.load %arg1[%get3A, %get3A_0] : memref<2048x128xf32, #tpu.memory_space<vmem>>, vector<2048x128xf32>
    %get3A_2 = arith.constant 0 : index
    %get3A_3 = arith.constant 0 : index
    %get3A_4 = vector.load %arg2[%get3A_2, %get3A_3] : memref<128x96xf32, #tpu.memory_space<vmem>>, vector<128x96xf32>
    %dot_general3A = arith.constant dense<0.000000e+00> : vector<2048x96xf32>
    %dot_general3A_5 = tpu.matmul %get3A_1, %get3A_4, %dot_general3A {dimension_numbers = #tpu.dot_dimension_numbers<[1], [0], [0], [1], [0, 0, 1, 1], [], []>, transpose_lhs_hint = false} : vector<2048x128xf32>, vector<128x96xf32>, vector<2048x96xf32> -> vector<2048x96xf32>
    %swap3A = arith.constant 0 : index
    %swap3A_6 = arith.constant 0 : index
    %swap3A_7 = vector.load %arg5[%swap3A, %swap3A_6] : memref<2048x96xf32, #tpu.memory_space<vmem>>, vector<2048x96xf32>
    tpu.vector_store %arg5[%swap3A, %swap3A_6], %dot_general3A_5 {strides = array<i32>} : memref<2048x96xf32, #tpu.memory_space<vmem>>, vector<2048x96xf32>,
    %get3A_8 = arith.constant 0 : index
    %get3A_9 = arith.constant 0 : index
    %get3A_10 = vector.load %arg3[%get3A_8, %get3A_9] : memref<128x96xf32, #tpu.memory_space<vmem>>, vector<128x96xf32>
    %dot_general3A_11 = arith.constant dense<0.000000e+00> : vector<2048x96xf32>
    %dot_general3A_12 = tpu.matmul %get3A_1, %get3A_10, %dot_general3A_11 {dimension_numbers = #tpu.dot_dimension_numbers<[1], [0], [0], [1], [0, 0, 1, 1], [], []>, transpose_lhs_hint = false} : vector<2048x128xf32>, vector<128x96xf32>, vector<2048x96xf32> -> vector<2048x96xf32>
    %get3A_13 = arith.constant 0 : index
    %get3A_14 = arith.constant 0 : index
    %get3A_15 = vector.load %arg4[%get3A_13, %get3A_14] : memref<1x96xf32, #tpu.memory_space<vmem>>, vector<1x96xf32>
    %add3A = vector.broadcast %get3A_15 : vector<1x96xf32> to vector<2048x96xf32>
    %add3A_16 = arith.addf %dot_general3A_12, %add3A : vector<2048x96xf32>
    %swap3A_17 = arith.constant 0 : index
    %swap3A_18 = arith.constant 0 : index
    %swap3A_19 = vector.load %arg6[%swap3A_17, %swap3A_18] : memref<2048x96xf32, #tpu.memory_space<vmem>>, vector<2048x96xf32>
    tpu.vector_store %arg6[%swap3A_17, %swap3A_18], %add3A_16 {strides = array<i32>} : memref<2048x96xf32, #tpu.memory_space<vmem>>, vector<2048x96xf32>,
    return
  }
  func.func @transform_0(%arg0: i32) -> (i32, i32) {
    %c0_i32 = arith.constant 0 : i32
    %c0_i32_0 = arith.constant 0 : i32
    return %arg0, %c0_i32 : i32, i32
  }
  func.func @transform_1(%arg0: i32) -> (i32, i32) {
    %c0_i32 = arith.constant 0 : i32
    %c0_i32_0 = arith.constant 0 : i32
    %c0_i32_1 = arith.constant 0 : i32
    return %c0_i32, %c0_i32_0 : i32, i32
  }
  func.func @transform_2(%arg0: i32) -> (i32, i32) {
    %c0_i32 = arith.constant 0 : i32
    %c0_i32_0 = arith.constant 0 : i32
    %c0_i32_1 = arith.constant 0 : i32
    return %c0_i32, %c0_i32_0 : i32, i32
  }
  func.func @transform_3(%arg0: i32) -> (i32, i32) {
    %c0_i32 = arith.constant 0 : i32
    %c0_i32_0 = arith.constant 0 : i32
    %c0_i32_1 = arith.constant 0 : i32
    return %c0_i32, %c0_i32_0 : i32, i32
  }
  func.func @transform_4(%arg0: i32) -> (i32, i32) {
    %c0_i32 = arith.constant 0 : i32
    %c0_i32_0 = arith.constant 0 : i32
    return %arg0, %c0_i32 : i32, i32
  }
  func.func @transform_5(%arg0: i32) -> (i32, i32) {
    %c0_i32 = arith.constant 0 : i32
    %c0_i32_0 = arith.constant 0 : i32
    return %arg0, %c0_i32 : i32, i32
  }
}

module attributes {stable_mosaic.version = 14 : i64} {
  func.func @body(%arg0: i32, %arg1: memref<2x2048x48xf32, #tpu.memory_space<vmem>>, %arg2: memref<2x2048x48xf32, #tpu.memory_space<vmem>>, %arg3: memref<2x2048x16xf32, #tpu.memory_space<vmem>>, %arg4: memref<2048x96xf32, #tpu.memory_space<vmem>>, %arg5: memref<96x64xf32, #tpu.memory_space<vmem>>, %arg6: memref<96x64xf32, #tpu.memory_space<vmem>>, %arg7: memref<1x64xf32, #tpu.memory_space<vmem>>, %arg8: memref<2048x64xf32, #tpu.memory_space<vmem>>, %arg9: memref<2048x64xf32, #tpu.memory_space<vmem>>) attributes {dimension_semantics = [#tpu.dimension_semantics<arbitrary>], iteration_bounds = array<i64: 5>, scalar_prefetch = 0 : i64, scratch_operands = 0 : i64, tpu.core_type = #tpu.core_type<tc>, window_params = [{transform_indices = @transform_0, window_bounds = array<i64: 2, 2048, 48>}, {transform_indices = @transform_1, window_bounds = array<i64: 2, 2048, 48>}, {transform_indices = @transform_2, window_bounds = array<i64: 2, 2048, 16>}, {transform_indices = @transform_3, window_bounds = array<i64: 2048, 96>}, {pipeline_mode = #tpu.pipeline_mode<synchronous>, transform_indices = @transform_4, window_bounds = array<i64: 96, 64>}, {pipeline_mode = #tpu.pipeline_mode<synchronous>, transform_indices = @transform_5, window_bounds = array<i64: 96, 64>}, {pipeline_mode = #tpu.pipeline_mode<synchronous>, transform_indices = @transform_6, window_bounds = array<i64: 1, 64>}, {transform_indices = @transform_7, window_bounds = array<i64: 2048, 64>}, {transform_indices = @transform_8, window_bounds = array<i64: 2048, 64>}]} {
    %get3A = arith.constant 0 : index
    %get3A_0 = arith.constant 0 : index
    %get3A_1 = arith.constant 0 : index
    %get3A_2 = vector.load %arg1[%get3A, %get3A_0, %get3A_1] : memref<2x2048x48xf32, #tpu.memory_space<vmem>>, vector<1x2048x48xf32>
    %get3A_3 = vector.shape_cast %get3A_2 : vector<1x2048x48xf32> to vector<2048x48xf32>
    %get3A_4 = arith.constant 1 : index
    %get3A_5 = arith.constant 0 : index
    %get3A_6 = arith.constant 0 : index
    %get3A_7 = vector.load %arg1[%get3A_4, %get3A_5, %get3A_6] : memref<2x2048x48xf32, #tpu.memory_space<vmem>>, vector<1x2048x48xf32>
    %get3A_8 = vector.shape_cast %get3A_7 : vector<1x2048x48xf32> to vector<2048x48xf32>
    %add3A = arith.addf %get3A_3, %get3A_8 : vector<2048x48xf32>
    %get3A_9 = arith.constant 0 : index
    %get3A_10 = arith.constant 0 : index
    %get3A_11 = arith.constant 0 : index
    %get3A_12 = vector.load %arg2[%get3A_9, %get3A_10, %get3A_11] : memref<2x2048x48xf32, #tpu.memory_space<vmem>>, vector<1x2048x48xf32>
    %get3A_13 = vector.shape_cast %get3A_12 : vector<1x2048x48xf32> to vector<2048x48xf32>
    %get3A_14 = arith.constant 1 : index
    %get3A_15 = arith.constant 0 : index
    %get3A_16 = arith.constant 0 : index
    %get3A_17 = vector.load %arg2[%get3A_14, %get3A_15, %get3A_16] : memref<2x2048x48xf32, #tpu.memory_space<vmem>>, vector<1x2048x48xf32>
    %get3A_18 = vector.shape_cast %get3A_17 : vector<1x2048x48xf32> to vector<2048x48xf32>
    %add3A_19 = arith.addf %get3A_13, %get3A_18 : vector<2048x48xf32>
    %concatenate3A = tpu.concatenate %add3A, %add3A_19 in 1 : vector<2048x48xf32>, vector<2048x48xf32> -> vector<2048x96xf32>
    %get3A_20 = arith.constant 0 : index
    %get3A_21 = arith.constant 0 : index
    %get3A_22 = arith.constant 0 : index
    %get3A_23 = vector.load %arg3[%get3A_20, %get3A_21, %get3A_22] : memref<2x2048x16xf32, #tpu.memory_space<vmem>>, vector<1x2048x16xf32>
    %get3A_24 = vector.shape_cast %get3A_23 : vector<1x2048x16xf32> to vector<2048x16xf32>
    %get3A_25 = arith.constant 1 : index
    %get3A_26 = arith.constant 0 : index
    %get3A_27 = arith.constant 0 : index
    %get3A_28 = vector.load %arg3[%get3A_25, %get3A_26, %get3A_27] : memref<2x2048x16xf32, #tpu.memory_space<vmem>>, vector<1x2048x16xf32>
    %get3A_29 = vector.shape_cast %get3A_28 : vector<1x2048x16xf32> to vector<2048x16xf32>
    %add3A_30 = arith.addf %get3A_24, %get3A_29 : vector<2048x16xf32>
    %slice3A = vector.extract_strided_slice %add3A_30 {offsets = [0, 0], sizes = [2048, 1], strides = [1, 1]} : vector<2048x16xf32> to vector<2048x1xf32>
    %max3A = arith.constant 1.000000e+00 : f32
    %max3A_31 = vector.broadcast %max3A : f32 to vector<2048x1xf32>
    %max3A_32 = arith.maximumf %slice3A, %max3A_31 : vector<2048x1xf32>
    %div3A = arith.constant 1.000000e+00 : f32
    %div3A_33 = vector.broadcast %div3A : f32 to vector<2048x1xf32>
    %div3A_34 = arith.divf %div3A_33, %max3A_32 : vector<2048x1xf32>
    %mul3A = vector.broadcast %div3A_34 : vector<2048x1xf32> to vector<2048x96xf32>
    %mul3A_35 = arith.mulf %concatenate3A, %mul3A : vector<2048x96xf32>
    %get3A_36 = arith.constant 0 : index
    %get3A_37 = arith.constant 0 : index
    %get3A_38 = vector.load %arg4[%get3A_36, %get3A_37] : memref<2048x96xf32, #tpu.memory_space<vmem>>, vector<2048x96xf32>
    %add3A_39 = arith.addf %mul3A_35, %get3A_38 : vector<2048x96xf32>
    %mul3A_40 = arith.constant 5.000000e-01 : f32
    %mul3A_41 = vector.broadcast %mul3A_40 : f32 to vector<2048x96xf32>
    %mul3A_42 = arith.mulf %mul3A_41, %add3A_39 : vector<2048x96xf32>
    %mul3A_43 = arith.constant 0.707106769 : f32
    %mul3A_44 = vector.broadcast %mul3A_43 : f32 to vector<2048x96xf32>
    %mul3A_45 = arith.mulf %add3A_39, %mul3A_44 : vector<2048x96xf32>
    %erf3A = math.erf %mul3A_45 : vector<2048x96xf32>
    %add3A_46 = arith.constant 1.000000e+00 : f32
    %add3A_47 = vector.broadcast %add3A_46 : f32 to vector<2048x96xf32>
    %add3A_48 = arith.addf %add3A_47, %erf3A : vector<2048x96xf32>
    %mul3A_49 = arith.mulf %mul3A_42, %add3A_48 : vector<2048x96xf32>
    %get3A_50 = arith.constant 0 : index
    %get3A_51 = arith.constant 0 : index
    %get3A_52 = vector.load %arg5[%get3A_50, %get3A_51] : memref<96x64xf32, #tpu.memory_space<vmem>>, vector<96x64xf32>
    %dot_general3A = arith.constant dense<0.000000e+00> : vector<2048x64xf32>
    %dot_general3A_53 = tpu.matmul %mul3A_49, %get3A_52, %dot_general3A {dimension_numbers = #tpu.dot_dimension_numbers<[1], [0], [0], [1], [0, 0, 1, 1], [], []>, transpose_lhs_hint = false} : vector<2048x96xf32>, vector<96x64xf32>, vector<2048x64xf32> -> vector<2048x64xf32>
    %swap3A = arith.constant 0 : index
    %swap3A_54 = arith.constant 0 : index
    %swap3A_55 = vector.load %arg8[%swap3A, %swap3A_54] : memref<2048x64xf32, #tpu.memory_space<vmem>>, vector<2048x64xf32>
    tpu.vector_store %arg8[%swap3A, %swap3A_54], %dot_general3A_53 {strides = array<i32>} : memref<2048x64xf32, #tpu.memory_space<vmem>>, vector<2048x64xf32>,
    %get3A_56 = arith.constant 0 : index
    %get3A_57 = arith.constant 0 : index
    %get3A_58 = vector.load %arg6[%get3A_56, %get3A_57] : memref<96x64xf32, #tpu.memory_space<vmem>>, vector<96x64xf32>
    %dot_general3A_59 = arith.constant dense<0.000000e+00> : vector<2048x64xf32>
    %dot_general3A_60 = tpu.matmul %mul3A_49, %get3A_58, %dot_general3A_59 {dimension_numbers = #tpu.dot_dimension_numbers<[1], [0], [0], [1], [0, 0, 1, 1], [], []>, transpose_lhs_hint = false} : vector<2048x96xf32>, vector<96x64xf32>, vector<2048x64xf32> -> vector<2048x64xf32>
    %get3A_61 = arith.constant 0 : index
    %get3A_62 = arith.constant 0 : index
    %get3A_63 = vector.load %arg7[%get3A_61, %get3A_62] : memref<1x64xf32, #tpu.memory_space<vmem>>, vector<1x64xf32>
    %add3A_64 = vector.broadcast %get3A_63 : vector<1x64xf32> to vector<2048x64xf32>
    %add3A_65 = arith.addf %dot_general3A_60, %add3A_64 : vector<2048x64xf32>
    %swap3A_66 = arith.constant 0 : index
    %swap3A_67 = arith.constant 0 : index
    %swap3A_68 = vector.load %arg9[%swap3A_66, %swap3A_67] : memref<2048x64xf32, #tpu.memory_space<vmem>>, vector<2048x64xf32>
    tpu.vector_store %arg9[%swap3A_66, %swap3A_67], %add3A_65 {strides = array<i32>} : memref<2048x64xf32, #tpu.memory_space<vmem>>, vector<2048x64xf32>,
    return
  }
  func.func @transform_0(%arg0: i32) -> (i32, i32, i32) {
    %c0_i32 = arith.constant 0 : i32
    %c0_i32_0 = arith.constant 0 : i32
    %c0_i32_1 = arith.constant 0 : i32
    return %c0_i32, %arg0, %c0_i32_0 : i32, i32, i32
  }
  func.func @transform_1(%arg0: i32) -> (i32, i32, i32) {
    %c0_i32 = arith.constant 0 : i32
    %c0_i32_0 = arith.constant 0 : i32
    %c0_i32_1 = arith.constant 0 : i32
    return %c0_i32, %arg0, %c0_i32_0 : i32, i32, i32
  }
  func.func @transform_2(%arg0: i32) -> (i32, i32, i32) {
    %c0_i32 = arith.constant 0 : i32
    %c0_i32_0 = arith.constant 0 : i32
    %c0_i32_1 = arith.constant 0 : i32
    return %c0_i32, %arg0, %c0_i32_0 : i32, i32, i32
  }
  func.func @transform_3(%arg0: i32) -> (i32, i32) {
    %c0_i32 = arith.constant 0 : i32
    %c0_i32_0 = arith.constant 0 : i32
    return %arg0, %c0_i32 : i32, i32
  }
  func.func @transform_4(%arg0: i32) -> (i32, i32) {
    %c0_i32 = arith.constant 0 : i32
    %c0_i32_0 = arith.constant 0 : i32
    %c0_i32_1 = arith.constant 0 : i32
    return %c0_i32, %c0_i32_0 : i32, i32
  }
  func.func @transform_5(%arg0: i32) -> (i32, i32) {
    %c0_i32 = arith.constant 0 : i32
    %c0_i32_0 = arith.constant 0 : i32
    %c0_i32_1 = arith.constant 0 : i32
    return %c0_i32, %c0_i32_0 : i32, i32
  }
  func.func @transform_6(%arg0: i32) -> (i32, i32) {
    %c0_i32 = arith.constant 0 : i32
    %c0_i32_0 = arith.constant 0 : i32
    %c0_i32_1 = arith.constant 0 : i32
    return %c0_i32, %c0_i32_0 : i32, i32
  }
  func.func @transform_7(%arg0: i32) -> (i32, i32) {
    %c0_i32 = arith.constant 0 : i32
    %c0_i32_0 = arith.constant 0 : i32
    return %arg0, %c0_i32 : i32, i32
  }
  func.func @transform_8(%arg0: i32) -> (i32, i32) {
    %c0_i32 = arith.constant 0 : i32
    %c0_i32_0 = arith.constant 0 : i32
    return %arg0, %c0_i32 : i32, i32
  }
}

module attributes {stable_mosaic.version = 14 : i64} {
  func.func @body(%arg0: i32, %arg1: memref<2x2048x64xf32, #tpu.memory_space<vmem>>, %arg2: memref<2x2048x16xf32, #tpu.memory_space<vmem>>, %arg3: memref<2048x64xf32, #tpu.memory_space<vmem>>, %arg4: memref<64x32xf32, #tpu.memory_space<vmem>>, %arg5: memref<64x32xf32, #tpu.memory_space<vmem>>, %arg6: memref<1x32xf32, #tpu.memory_space<vmem>>, %arg7: memref<2048x32xf32, #tpu.memory_space<vmem>>, %arg8: memref<2048x32xf32, #tpu.memory_space<vmem>>) attributes {dimension_semantics = [#tpu.dimension_semantics<arbitrary>], iteration_bounds = array<i64: 5>, scalar_prefetch = 0 : i64, scratch_operands = 0 : i64, tpu.core_type = #tpu.core_type<tc>, window_params = [{transform_indices = @transform_0, window_bounds = array<i64: 2, 2048, 64>}, {transform_indices = @transform_1, window_bounds = array<i64: 2, 2048, 16>}, {transform_indices = @transform_2, window_bounds = array<i64: 2048, 64>}, {pipeline_mode = #tpu.pipeline_mode<synchronous>, transform_indices = @transform_3, window_bounds = array<i64: 64, 32>}, {pipeline_mode = #tpu.pipeline_mode<synchronous>, transform_indices = @transform_4, window_bounds = array<i64: 64, 32>}, {pipeline_mode = #tpu.pipeline_mode<synchronous>, transform_indices = @transform_5, window_bounds = array<i64: 1, 32>}, {transform_indices = @transform_6, window_bounds = array<i64: 2048, 32>}, {transform_indices = @transform_7, window_bounds = array<i64: 2048, 32>}]} {
    %get3A = arith.constant 0 : index
    %get3A_0 = arith.constant 0 : index
    %get3A_1 = arith.constant 0 : index
    %get3A_2 = vector.load %arg1[%get3A, %get3A_0, %get3A_1] : memref<2x2048x64xf32, #tpu.memory_space<vmem>>, vector<1x2048x64xf32>
    %get3A_3 = vector.shape_cast %get3A_2 : vector<1x2048x64xf32> to vector<2048x64xf32>
    %get3A_4 = arith.constant 1 : index
    %get3A_5 = arith.constant 0 : index
    %get3A_6 = arith.constant 0 : index
    %get3A_7 = vector.load %arg1[%get3A_4, %get3A_5, %get3A_6] : memref<2x2048x64xf32, #tpu.memory_space<vmem>>, vector<1x2048x64xf32>
    %get3A_8 = vector.shape_cast %get3A_7 : vector<1x2048x64xf32> to vector<2048x64xf32>
    %add3A = arith.addf %get3A_3, %get3A_8 : vector<2048x64xf32>
    %get3A_9 = arith.constant 0 : index
    %get3A_10 = arith.constant 0 : index
    %get3A_11 = arith.constant 0 : index
    %get3A_12 = vector.load %arg2[%get3A_9, %get3A_10, %get3A_11] : memref<2x2048x16xf32, #tpu.memory_space<vmem>>, vector<1x2048x16xf32>
    %get3A_13 = vector.shape_cast %get3A_12 : vector<1x2048x16xf32> to vector<2048x16xf32>
    %get3A_14 = arith.constant 1 : index
    %get3A_15 = arith.constant 0 : index
    %get3A_16 = arith.constant 0 : index
    %get3A_17 = vector.load %arg2[%get3A_14, %get3A_15, %get3A_16] : memref<2x2048x16xf32, #tpu.memory_space<vmem>>, vector<1x2048x16xf32>
    %get3A_18 = vector.shape_cast %get3A_17 : vector<1x2048x16xf32> to vector<2048x16xf32>
    %add3A_19 = arith.addf %get3A_13, %get3A_18 : vector<2048x16xf32>
    %slice3A = vector.extract_strided_slice %add3A_19 {offsets = [0, 0], sizes = [2048, 1], strides = [1, 1]} : vector<2048x16xf32> to vector<2048x1xf32>
    %max3A = arith.constant 1.000000e+00 : f32
    %max3A_20 = vector.broadcast %max3A : f32 to vector<2048x1xf32>
    %max3A_21 = arith.maximumf %slice3A, %max3A_20 : vector<2048x1xf32>
    %div3A = arith.constant 1.000000e+00 : f32
    %div3A_22 = vector.broadcast %div3A : f32 to vector<2048x1xf32>
    %div3A_23 = arith.divf %div3A_22, %max3A_21 : vector<2048x1xf32>
    %mul3A = vector.broadcast %div3A_23 : vector<2048x1xf32> to vector<2048x64xf32>
    %mul3A_24 = arith.mulf %add3A, %mul3A : vector<2048x64xf32>
    %get3A_25 = arith.constant 0 : index
    %get3A_26 = arith.constant 0 : index
    %get3A_27 = vector.load %arg3[%get3A_25, %get3A_26] : memref<2048x64xf32, #tpu.memory_space<vmem>>, vector<2048x64xf32>
    %add3A_28 = arith.addf %mul3A_24, %get3A_27 : vector<2048x64xf32>
    %mul3A_29 = arith.constant 5.000000e-01 : f32
    %mul3A_30 = vector.broadcast %mul3A_29 : f32 to vector<2048x64xf32>
    %mul3A_31 = arith.mulf %mul3A_30, %add3A_28 : vector<2048x64xf32>
    %mul3A_32 = arith.constant 0.707106769 : f32
    %mul3A_33 = vector.broadcast %mul3A_32 : f32 to vector<2048x64xf32>
    %mul3A_34 = arith.mulf %add3A_28, %mul3A_33 : vector<2048x64xf32>
    %erf3A = math.erf %mul3A_34 : vector<2048x64xf32>
    %add3A_35 = arith.constant 1.000000e+00 : f32
    %add3A_36 = vector.broadcast %add3A_35 : f32 to vector<2048x64xf32>
    %add3A_37 = arith.addf %add3A_36, %erf3A : vector<2048x64xf32>
    %mul3A_38 = arith.mulf %mul3A_31, %add3A_37 : vector<2048x64xf32>
    %get3A_39 = arith.constant 0 : index
    %get3A_40 = arith.constant 0 : index
    %get3A_41 = vector.load %arg4[%get3A_39, %get3A_40] : memref<64x32xf32, #tpu.memory_space<vmem>>, vector<64x32xf32>
    %dot_general3A = arith.constant dense<0.000000e+00> : vector<2048x32xf32>
    %dot_general3A_42 = tpu.matmul %mul3A_38, %get3A_41, %dot_general3A {dimension_numbers = #tpu.dot_dimension_numbers<[1], [0], [0], [1], [0, 0, 1, 1], [], []>, transpose_lhs_hint = false} : vector<2048x64xf32>, vector<64x32xf32>, vector<2048x32xf32> -> vector<2048x32xf32>
    %swap3A = arith.constant 0 : index
    %swap3A_43 = arith.constant 0 : index
    %swap3A_44 = vector.load %arg7[%swap3A, %swap3A_43] : memref<2048x32xf32, #tpu.memory_space<vmem>>, vector<2048x32xf32>
    tpu.vector_store %arg7[%swap3A, %swap3A_43], %dot_general3A_42 {strides = array<i32>} : memref<2048x32xf32, #tpu.memory_space<vmem>>, vector<2048x32xf32>,
    %get3A_45 = arith.constant 0 : index
    %get3A_46 = arith.constant 0 : index
    %get3A_47 = vector.load %arg5[%get3A_45, %get3A_46] : memref<64x32xf32, #tpu.memory_space<vmem>>, vector<64x32xf32>
    %dot_general3A_48 = arith.constant dense<0.000000e+00> : vector<2048x32xf32>
    %dot_general3A_49 = tpu.matmul %mul3A_38, %get3A_47, %dot_general3A_48 {dimension_numbers = #tpu.dot_dimension_numbers<[1], [0], [0], [1], [0, 0, 1, 1], [], []>, transpose_lhs_hint = false} : vector<2048x64xf32>, vector<64x32xf32>, vector<2048x32xf32> -> vector<2048x32xf32>
    %get3A_50 = arith.constant 0 : index
    %get3A_51 = arith.constant 0 : index
    %get3A_52 = vector.load %arg6[%get3A_50, %get3A_51] : memref<1x32xf32, #tpu.memory_space<vmem>>, vector<1x32xf32>
    %add3A_53 = vector.broadcast %get3A_52 : vector<1x32xf32> to vector<2048x32xf32>
    %add3A_54 = arith.addf %dot_general3A_49, %add3A_53 : vector<2048x32xf32>
    %swap3A_55 = arith.constant 0 : index
    %swap3A_56 = arith.constant 0 : index
    %swap3A_57 = vector.load %arg8[%swap3A_55, %swap3A_56] : memref<2048x32xf32, #tpu.memory_space<vmem>>, vector<2048x32xf32>
    tpu.vector_store %arg8[%swap3A_55, %swap3A_56], %add3A_54 {strides = array<i32>} : memref<2048x32xf32, #tpu.memory_space<vmem>>, vector<2048x32xf32>,
    return
  }
  func.func @transform_0(%arg0: i32) -> (i32, i32, i32) {
    %c0_i32 = arith.constant 0 : i32
    %c0_i32_0 = arith.constant 0 : i32
    %c0_i32_1 = arith.constant 0 : i32
    return %c0_i32, %arg0, %c0_i32_0 : i32, i32, i32
  }
  func.func @transform_1(%arg0: i32) -> (i32, i32, i32) {
    %c0_i32 = arith.constant 0 : i32
    %c0_i32_0 = arith.constant 0 : i32
    %c0_i32_1 = arith.constant 0 : i32
    return %c0_i32, %arg0, %c0_i32_0 : i32, i32, i32
  }
  func.func @transform_2(%arg0: i32) -> (i32, i32) {
    %c0_i32 = arith.constant 0 : i32
    %c0_i32_0 = arith.constant 0 : i32
    return %arg0, %c0_i32 : i32, i32
  }
  func.func @transform_3(%arg0: i32) -> (i32, i32) {
    %c0_i32 = arith.constant 0 : i32
    %c0_i32_0 = arith.constant 0 : i32
    %c0_i32_1 = arith.constant 0 : i32
    return %c0_i32, %c0_i32_0 : i32, i32
  }
  func.func @transform_4(%arg0: i32) -> (i32, i32) {
    %c0_i32 = arith.constant 0 : i32
    %c0_i32_0 = arith.constant 0 : i32
    %c0_i32_1 = arith.constant 0 : i32
    return %c0_i32, %c0_i32_0 : i32, i32
  }
  func.func @transform_5(%arg0: i32) -> (i32, i32) {
    %c0_i32 = arith.constant 0 : i32
    %c0_i32_0 = arith.constant 0 : i32
    %c0_i32_1 = arith.constant 0 : i32
    return %c0_i32, %c0_i32_0 : i32, i32
  }
  func.func @transform_6(%arg0: i32) -> (i32, i32) {
    %c0_i32 = arith.constant 0 : i32
    %c0_i32_0 = arith.constant 0 : i32
    return %arg0, %c0_i32 : i32, i32
  }
  func.func @transform_7(%arg0: i32) -> (i32, i32) {
    %c0_i32 = arith.constant 0 : i32
    %c0_i32_0 = arith.constant 0 : i32
    return %arg0, %c0_i32 : i32, i32
  }
}

module attributes {stable_mosaic.version = 14 : i64} {
  func.func @body(%arg0: i32, %arg1: memref<2x2048x32xf32, #tpu.memory_space<vmem>>, %arg2: memref<2x2048x16xf32, #tpu.memory_space<vmem>>, %arg3: memref<2048x32xf32, #tpu.memory_space<vmem>>, %arg4: memref<32x16xf32, #tpu.memory_space<vmem>>, %arg5: memref<32x16xf32, #tpu.memory_space<vmem>>, %arg6: memref<1x16xf32, #tpu.memory_space<vmem>>, %arg7: memref<2048x16xf32, #tpu.memory_space<vmem>>, %arg8: memref<2048x16xf32, #tpu.memory_space<vmem>>) attributes {dimension_semantics = [#tpu.dimension_semantics<arbitrary>], iteration_bounds = array<i64: 5>, scalar_prefetch = 0 : i64, scratch_operands = 0 : i64, tpu.core_type = #tpu.core_type<tc>, window_params = [{transform_indices = @transform_0, window_bounds = array<i64: 2, 2048, 32>}, {transform_indices = @transform_1, window_bounds = array<i64: 2, 2048, 16>}, {transform_indices = @transform_2, window_bounds = array<i64: 2048, 32>}, {pipeline_mode = #tpu.pipeline_mode<synchronous>, transform_indices = @transform_3, window_bounds = array<i64: 32, 16>}, {pipeline_mode = #tpu.pipeline_mode<synchronous>, transform_indices = @transform_4, window_bounds = array<i64: 32, 16>}, {pipeline_mode = #tpu.pipeline_mode<synchronous>, transform_indices = @transform_5, window_bounds = array<i64: 1, 16>}, {transform_indices = @transform_6, window_bounds = array<i64: 2048, 16>}, {transform_indices = @transform_7, window_bounds = array<i64: 2048, 16>}]} {
    %get3A = arith.constant 0 : index
    %get3A_0 = arith.constant 0 : index
    %get3A_1 = arith.constant 0 : index
    %get3A_2 = vector.load %arg1[%get3A, %get3A_0, %get3A_1] : memref<2x2048x32xf32, #tpu.memory_space<vmem>>, vector<1x2048x32xf32>
    %get3A_3 = vector.shape_cast %get3A_2 : vector<1x2048x32xf32> to vector<2048x32xf32>
    %get3A_4 = arith.constant 1 : index
    %get3A_5 = arith.constant 0 : index
    %get3A_6 = arith.constant 0 : index
    %get3A_7 = vector.load %arg1[%get3A_4, %get3A_5, %get3A_6] : memref<2x2048x32xf32, #tpu.memory_space<vmem>>, vector<1x2048x32xf32>
    %get3A_8 = vector.shape_cast %get3A_7 : vector<1x2048x32xf32> to vector<2048x32xf32>
    %add3A = arith.addf %get3A_3, %get3A_8 : vector<2048x32xf32>
    %get3A_9 = arith.constant 0 : index
    %get3A_10 = arith.constant 0 : index
    %get3A_11 = arith.constant 0 : index
    %get3A_12 = vector.load %arg2[%get3A_9, %get3A_10, %get3A_11] : memref<2x2048x16xf32, #tpu.memory_space<vmem>>, vector<1x2048x16xf32>
    %get3A_13 = vector.shape_cast %get3A_12 : vector<1x2048x16xf32> to vector<2048x16xf32>
    %get3A_14 = arith.constant 1 : index
    %get3A_15 = arith.constant 0 : index
    %get3A_16 = arith.constant 0 : index
    %get3A_17 = vector.load %arg2[%get3A_14, %get3A_15, %get3A_16] : memref<2x2048x16xf32, #tpu.memory_space<vmem>>, vector<1x2048x16xf32>
    %get3A_18 = vector.shape_cast %get3A_17 : vector<1x2048x16xf32> to vector<2048x16xf32>
    %add3A_19 = arith.addf %get3A_13, %get3A_18 : vector<2048x16xf32>
    %slice3A = vector.extract_strided_slice %add3A_19 {offsets = [0, 0], sizes = [2048, 1], strides = [1, 1]} : vector<2048x16xf32> to vector<2048x1xf32>
    %max3A = arith.constant 1.000000e+00 : f32
    %max3A_20 = vector.broadcast %max3A : f32 to vector<2048x1xf32>
    %max3A_21 = arith.maximumf %slice3A, %max3A_20 : vector<2048x1xf32>
    %div3A = arith.constant 1.000000e+00 : f32
    %div3A_22 = vector.broadcast %div3A : f32 to vector<2048x1xf32>
    %div3A_23 = arith.divf %div3A_22, %max3A_21 : vector<2048x1xf32>
    %mul3A = vector.broadcast %div3A_23 : vector<2048x1xf32> to vector<2048x32xf32>
    %mul3A_24 = arith.mulf %add3A, %mul3A : vector<2048x32xf32>
    %get3A_25 = arith.constant 0 : index
    %get3A_26 = arith.constant 0 : index
    %get3A_27 = vector.load %arg3[%get3A_25, %get3A_26] : memref<2048x32xf32, #tpu.memory_space<vmem>>, vector<2048x32xf32>
    %add3A_28 = arith.addf %mul3A_24, %get3A_27 : vector<2048x32xf32>
    %mul3A_29 = arith.constant 5.000000e-01 : f32
    %mul3A_30 = vector.broadcast %mul3A_29 : f32 to vector<2048x32xf32>
    %mul3A_31 = arith.mulf %mul3A_30, %add3A_28 : vector<2048x32xf32>
    %mul3A_32 = arith.constant 0.707106769 : f32
    %mul3A_33 = vector.broadcast %mul3A_32 : f32 to vector<2048x32xf32>
    %mul3A_34 = arith.mulf %add3A_28, %mul3A_33 : vector<2048x32xf32>
    %erf3A = math.erf %mul3A_34 : vector<2048x32xf32>
    %add3A_35 = arith.constant 1.000000e+00 : f32
    %add3A_36 = vector.broadcast %add3A_35 : f32 to vector<2048x32xf32>
    %add3A_37 = arith.addf %add3A_36, %erf3A : vector<2048x32xf32>
    %mul3A_38 = arith.mulf %mul3A_31, %add3A_37 : vector<2048x32xf32>
    %get3A_39 = arith.constant 0 : index
    %get3A_40 = arith.constant 0 : index
    %get3A_41 = vector.load %arg4[%get3A_39, %get3A_40] : memref<32x16xf32, #tpu.memory_space<vmem>>, vector<32x16xf32>
    %dot_general3A = arith.constant dense<0.000000e+00> : vector<2048x16xf32>
    %dot_general3A_42 = tpu.matmul %mul3A_38, %get3A_41, %dot_general3A {dimension_numbers = #tpu.dot_dimension_numbers<[1], [0], [0], [1], [0, 0, 1, 1], [], []>, transpose_lhs_hint = false} : vector<2048x32xf32>, vector<32x16xf32>, vector<2048x16xf32> -> vector<2048x16xf32>
    %swap3A = arith.constant 0 : index
    %swap3A_43 = arith.constant 0 : index
    %swap3A_44 = vector.load %arg7[%swap3A, %swap3A_43] : memref<2048x16xf32, #tpu.memory_space<vmem>>, vector<2048x16xf32>
    tpu.vector_store %arg7[%swap3A, %swap3A_43], %dot_general3A_42 {strides = array<i32>} : memref<2048x16xf32, #tpu.memory_space<vmem>>, vector<2048x16xf32>,
    %get3A_45 = arith.constant 0 : index
    %get3A_46 = arith.constant 0 : index
    %get3A_47 = vector.load %arg5[%get3A_45, %get3A_46] : memref<32x16xf32, #tpu.memory_space<vmem>>, vector<32x16xf32>
    %dot_general3A_48 = arith.constant dense<0.000000e+00> : vector<2048x16xf32>
    %dot_general3A_49 = tpu.matmul %mul3A_38, %get3A_47, %dot_general3A_48 {dimension_numbers = #tpu.dot_dimension_numbers<[1], [0], [0], [1], [0, 0, 1, 1], [], []>, transpose_lhs_hint = false} : vector<2048x32xf32>, vector<32x16xf32>, vector<2048x16xf32> -> vector<2048x16xf32>
    %get3A_50 = arith.constant 0 : index
    %get3A_51 = arith.constant 0 : index
    %get3A_52 = vector.load %arg6[%get3A_50, %get3A_51] : memref<1x16xf32, #tpu.memory_space<vmem>>, vector<1x16xf32>
    %add3A_53 = vector.broadcast %get3A_52 : vector<1x16xf32> to vector<2048x16xf32>
    %add3A_54 = arith.addf %dot_general3A_49, %add3A_53 : vector<2048x16xf32>
    %swap3A_55 = arith.constant 0 : index
    %swap3A_56 = arith.constant 0 : index
    %swap3A_57 = vector.load %arg8[%swap3A_55, %swap3A_56] : memref<2048x16xf32, #tpu.memory_space<vmem>>, vector<2048x16xf32>
    tpu.vector_store %arg8[%swap3A_55, %swap3A_56], %add3A_54 {strides = array<i32>} : memref<2048x16xf32, #tpu.memory_space<vmem>>, vector<2048x16xf32>,
    return
  }
  func.func @transform_0(%arg0: i32) -> (i32, i32, i32) {
    %c0_i32 = arith.constant 0 : i32
    %c0_i32_0 = arith.constant 0 : i32
    %c0_i32_1 = arith.constant 0 : i32
    return %c0_i32, %arg0, %c0_i32_0 : i32, i32, i32
  }
  func.func @transform_1(%arg0: i32) -> (i32, i32, i32) {
    %c0_i32 = arith.constant 0 : i32
    %c0_i32_0 = arith.constant 0 : i32
    %c0_i32_1 = arith.constant 0 : i32
    return %c0_i32, %arg0, %c0_i32_0 : i32, i32, i32
  }
  func.func @transform_2(%arg0: i32) -> (i32, i32) {
    %c0_i32 = arith.constant 0 : i32
    %c0_i32_0 = arith.constant 0 : i32
    return %arg0, %c0_i32 : i32, i32
  }
  func.func @transform_3(%arg0: i32) -> (i32, i32) {
    %c0_i32 = arith.constant 0 : i32
    %c0_i32_0 = arith.constant 0 : i32
    %c0_i32_1 = arith.constant 0 : i32
    return %c0_i32, %c0_i32_0 : i32, i32
  }
  func.func @transform_4(%arg0: i32) -> (i32, i32) {
    %c0_i32 = arith.constant 0 : i32
    %c0_i32_0 = arith.constant 0 : i32
    %c0_i32_1 = arith.constant 0 : i32
    return %c0_i32, %c0_i32_0 : i32, i32
  }
  func.func @transform_5(%arg0: i32) -> (i32, i32) {
    %c0_i32 = arith.constant 0 : i32
    %c0_i32_0 = arith.constant 0 : i32
    %c0_i32_1 = arith.constant 0 : i32
    return %c0_i32, %c0_i32_0 : i32, i32
  }
  func.func @transform_6(%arg0: i32) -> (i32, i32) {
    %c0_i32 = arith.constant 0 : i32
    %c0_i32_0 = arith.constant 0 : i32
    return %arg0, %c0_i32 : i32, i32
  }
  func.func @transform_7(%arg0: i32) -> (i32, i32) {
    %c0_i32 = arith.constant 0 : i32
    %c0_i32_0 = arith.constant 0 : i32
    return %arg0, %c0_i32 : i32, i32
  }
}

module attributes {stable_mosaic.version = 14 : i64} {
  func.func @body(%arg0: i32, %arg1: memref<2x2048x16xf32, #tpu.memory_space<vmem>>, %arg2: memref<2x2048x16xf32, #tpu.memory_space<vmem>>, %arg3: memref<2048x16xf32, #tpu.memory_space<vmem>>, %arg4: memref<2048x16xf32, #tpu.memory_space<vmem>>) attributes {dimension_semantics = [#tpu.dimension_semantics<arbitrary>], iteration_bounds = array<i64: 5>, scalar_prefetch = 0 : i64, scratch_operands = 0 : i64, tpu.core_type = #tpu.core_type<tc>, window_params = [{transform_indices = @transform_0, window_bounds = array<i64: 2, 2048, 16>}, {transform_indices = @transform_1, window_bounds = array<i64: 2, 2048, 16>}, {transform_indices = @transform_2, window_bounds = array<i64: 2048, 16>}, {transform_indices = @transform_3, window_bounds = array<i64: 2048, 16>}]} {
    %get3A = arith.constant 0 : index
    %get3A_0 = arith.constant 0 : index
    %get3A_1 = arith.constant 0 : index
    %get3A_2 = vector.load %arg1[%get3A, %get3A_0, %get3A_1] : memref<2x2048x16xf32, #tpu.memory_space<vmem>>, vector<1x2048x16xf32>
    %get3A_3 = vector.shape_cast %get3A_2 : vector<1x2048x16xf32> to vector<2048x16xf32>
    %get3A_4 = arith.constant 1 : index
    %get3A_5 = arith.constant 0 : index
    %get3A_6 = arith.constant 0 : index
    %get3A_7 = vector.load %arg1[%get3A_4, %get3A_5, %get3A_6] : memref<2x2048x16xf32, #tpu.memory_space<vmem>>, vector<1x2048x16xf32>
    %get3A_8 = vector.shape_cast %get3A_7 : vector<1x2048x16xf32> to vector<2048x16xf32>
    %add3A = arith.addf %get3A_3, %get3A_8 : vector<2048x16xf32>
    %get3A_9 = arith.constant 0 : index
    %get3A_10 = arith.constant 0 : index
    %get3A_11 = arith.constant 0 : index
    %get3A_12 = vector.load %arg2[%get3A_9, %get3A_10, %get3A_11] : memref<2x2048x16xf32, #tpu.memory_space<vmem>>, vector<1x2048x16xf32>
    %get3A_13 = vector.shape_cast %get3A_12 : vector<1x2048x16xf32> to vector<2048x16xf32>
    %get3A_14 = arith.constant 1 : index
    %get3A_15 = arith.constant 0 : index
    %get3A_16 = arith.constant 0 : index
    %get3A_17 = vector.load %arg2[%get3A_14, %get3A_15, %get3A_16] : memref<2x2048x16xf32, #tpu.memory_space<vmem>>, vector<1x2048x16xf32>
    %get3A_18 = vector.shape_cast %get3A_17 : vector<1x2048x16xf32> to vector<2048x16xf32>
    %add3A_19 = arith.addf %get3A_13, %get3A_18 : vector<2048x16xf32>
    %slice3A = vector.extract_strided_slice %add3A_19 {offsets = [0, 0], sizes = [2048, 1], strides = [1, 1]} : vector<2048x16xf32> to vector<2048x1xf32>
    %max3A = arith.constant 1.000000e+00 : f32
    %max3A_20 = vector.broadcast %max3A : f32 to vector<2048x1xf32>
    %max3A_21 = arith.maximumf %slice3A, %max3A_20 : vector<2048x1xf32>
    %div3A = arith.constant 1.000000e+00 : f32
    %div3A_22 = vector.broadcast %div3A : f32 to vector<2048x1xf32>
    %div3A_23 = arith.divf %div3A_22, %max3A_21 : vector<2048x1xf32>
    %mul3A = vector.broadcast %div3A_23 : vector<2048x1xf32> to vector<2048x16xf32>
    %mul3A_24 = arith.mulf %add3A, %mul3A : vector<2048x16xf32>
    %get3A_25 = arith.constant 0 : index
    %get3A_26 = arith.constant 0 : index
    %get3A_27 = vector.load %arg3[%get3A_25, %get3A_26] : memref<2048x16xf32, #tpu.memory_space<vmem>>, vector<2048x16xf32>
    %add3A_28 = arith.addf %mul3A_24, %get3A_27 : vector<2048x16xf32>
    %swap3A = arith.constant 0 : index
    %swap3A_29 = arith.constant 0 : index
    %swap3A_30 = vector.load %arg4[%swap3A, %swap3A_29] : memref<2048x16xf32, #tpu.memory_space<vmem>>, vector<2048x16xf32>
    tpu.vector_store %arg4[%swap3A, %swap3A_29], %add3A_28 {strides = array<i32>} : memref<2048x16xf32, #tpu.memory_space<vmem>>, vector<2048x16xf32>,
    return
  }
  func.func @transform_0(%arg0: i32) -> (i32, i32, i32) {
    %c0_i32 = arith.constant 0 : i32
    %c0_i32_0 = arith.constant 0 : i32
    %c0_i32_1 = arith.constant 0 : i32
    return %c0_i32, %arg0, %c0_i32_0 : i32, i32, i32
  }
  func.func @transform_1(%arg0: i32) -> (i32, i32, i32) {
    %c0_i32 = arith.constant 0 : i32
    %c0_i32_0 = arith.constant 0 : i32
    %c0_i32_1 = arith.constant 0 : i32
    return %c0_i32, %arg0, %c0_i32_0 : i32, i32, i32
  }
  func.func @transform_2(%arg0: i32) -> (i32, i32) {
    %c0_i32 = arith.constant 0 : i32
    %c0_i32_0 = arith.constant 0 : i32
    return %arg0, %c0_i32 : i32, i32
  }
  func.func @transform_3(%arg0: i32) -> (i32, i32) {
    %c0_i32 = arith.constant 0 : i32
    %c0_i32_0 = arith.constant 0 : i32
    return %arg0, %c0_i32 : i32, i32
  }
}

</mosaic_0001>

<sc_bundles>
// kernel: kernel.11.cloned.1.call-start
scs
__scs_entry_jumppad:
0x0: {  	(pc) =	sbr.rel $0x88, $3  }
0x1: {  	(tag) =	ssettag $0x0;
	lr =	simm.s32 $0x1  }
0x2: {  	[smem:$0x3F93] =	sst lr;
	_ =	strace $0xD0000000  }
0x3: {  	_ = 	snop  }
0x4: {  	_ = 	snop  }
0x5: {  	_ = 	snop  }
0x6: {  	_ = 	snop  }
0x7: {  	_ = 	snop  }
__scs_overlays_trampoline_lowered:
0x8: {  	[smem:$0x3FA2] =	sst s0  }
0x9: {  	[smem:$0x3FA3] =	sst s1  }
0xa: {  	[smem:$0x3FA4] =	sst s2  }
0xb: {  	[smem:$0x3FA5] =	sst s3  }
0xc: {  	[smem:$0x3FA6] =	sst s4  }
0xd: {  	[smem:$0x3FA7] =	sst s5  }
0xe: {  	[smem:$0x3FA8] =	sst s6  }
0xf: {  	[smem:$0x3FA9] =	sst s7  }
0x10: {  	[smem:$0x3FAA] =	sst s8  }
0x11: {  	[smem:$0x3FAB] =	sst s9;
	s0 =	simm.s32 @!p0 $0x0  }
0x12: {  	s1 =	sld [smem:$0x3F91];
	s0 =	simm.s32 @p0 $0x1  }
0x13: {  	[smem:$0x3FAC] =	sst s0;
	s0 =	simm.s32 @!p1 $0x0  }
0x14: {  	s2 =	sld [smem:$0x3F90];
	s0 =	simm.s32 @p1 $0x1  }
0x15: {  	[smem:$0x3FAD] =	sst s0;
	s0 =	simm.s32 @!p2 $0x0  }
0x16: {  	s3 =	sld [smem:$0x3FDB];
	s0 =	simm.s32 @p2 $0x1  }
0x17: {  	s4 =	simm.s32 $0x1BF5;
	[smem:$0x3FAF] =	sst s0  }
0x18: {  	s0 =	sld [smem:$0x3F92];
	_ =	swait.ge [sflag:s4], $0x0  }
0x19: {  	s7 =	sld [smem:$0x3F93]  }
0x1a: {  	s8 =	sadd.s32 $0xFFFFE003, lr  }
0x1b: {  	s9 =	sadd.s32 $0xFFFFFEF7, lr;
	s5 =	simm.s32 $0xFFFFFFFF;
	p2 =	slt.u32 s8, $0xFFFFF086  }
0x1c: {  	p1 =	slt.u32 s9, $0xF7A;
	s5 =	simm.s32 @!p2 $0x0  }
0x1d: {  	s5 =	simm.s32 @p1 $0x1;
	p0 =	seq.s32 s7, s2  }
0x1e: {  	s7 =	smul.u32 @!p0 $0xF7A, s2;
	p2 =	seq.s32 @!p0 s5, $0x0  }
0x1f: {  	s9 =	smul.u32 $0xF7A, s1;
	s8 =	simm.s32 @!p0 $0x1BF5;
	p2 =	por !p2, p0  }
0x20: {  	[sflag:s8] =	ssyncset.s32 @!p0 $0xFFFFF086;
	s6 =	sadd.s32 @!p0 s3, s7;
	s7 =	simm.s32 @!p0 $0x108  }
0x21: {  	s3 =	sadd.s32 s3, s9;
	s6 =	sadd.s32 @!p0 $0x88, s6;
	s7 =	simm.s32 @p2 $0x1082  }
0x22: {  	[simem:s7], [sflag:s8] =	dma.local @!p0 [hbm:s6], $0xF7A  }
0x23: {  	s9 =	sor.u32 $0xD0000000, s2;
	s6 =	simm.s32 $0x108;
	_ =	swait.ge @!p0 [sflag:s8], $0x0  }
0x24: {  	s3 =	sadd.s32 $0x88, s3;
	s6 =	simm.s32 @!p1 $0x1082;
	[sflag:s4] =	ssyncset.s32 $0xFFFFF086  }
0x25: {  	[simem:s6], [sflag:s4] =	dma.local [hbm:s3], $0xF7A  }
0x26: {  	[smem:$0x3F93] =	sst s1;
	(tag) =	ssettag s2;
	_ =	strace s9  }
0x27: {  	s1 =	sld [smem:$0x3FA3]  }
0x28: {  	s2 =	sld [smem:$0x3FA4]  }
0x29: {  	s4 =	sld [smem:$0x3FA6]  }
0x2a: {  	p0 =	seq.s32 s5, $0x0;
	s5 =	sld [smem:$0x3FA7]  }
0x2b: {  	s6 =	sld [smem:$0x3FA8]  }
0x2c: {  	s7 =	sld [smem:$0x3FA9]  }
0x2d: {  	s3 =	simm.s32 $0x108;
	s8 =	sld [smem:$0x3FAA]  }
0x2e: {  	s3 =	simm.s32 @!p0 $0x1082;
	s9 =	sld [smem:$0x3FAB]  }
0x2f: {  	lr =	sadd.s32 s0, s3;
	s0 =	sld [smem:$0x3FA2]  }
0x30: {  	s3 =	sld [smem:$0x3FA5]  }
0x31: {  	[smem:$0x3FAE] =	sst s10  }
0x32: {  	s10 =	sld [smem:$0x3FAC];
	_ =	sdelay $0x3  }
0x33: {  	p0 =	seq.s32 s10, $0x1;
	s10 =	sld [smem:$0x3FAE];
	_ =	sdelay $0x3  }
0x34: {  	[smem:$0x3FAE] =	sst s10  }
0x35: {  	s10 =	sld [smem:$0x3FAD];
	_ =	sdelay $0x3  }
0x36: {  	p1 =	seq.s32 s10, $0x1;
	s10 =	sld [smem:$0x3FAE];
	_ =	sdelay $0x3  }
0x37: {  	[smem:$0x3FAE] =	sst s10  }
0x38: {  	s10 =	sld [smem:$0x3FAF]  }
0x39: {  	_ = 	snop;
	(pc) =	sbr.ind lr, $3  }
0x3a: {  	_ = 	snop  }
0x3b: {  	_ = 	snop  }
0x3c: {  	p2 =	seq.s32 s10, $0x1;
	s10 =	sld [smem:$0x3FAE]  }
0x3d: {  	_ =	shalt  }
0x3e: {  	_ =	shalt  }
0x3f: {  	_ =	shalt  }
0x40: {  	_ =	shalt  }
0x41: {  	_ =	shalt  }
0x42: {  	_ =	shalt  }
0x43: {  	_ =	shalt  }
0x44: {  	_ =	shalt  }
0x45: {  	_ =	shalt  }
0x46: {  	_ =	shalt  }
0x47: {  	_ =	shalt  }
0x48: {  	_ =	shalt  }
0x49: {  	_ =	shalt  }
0x4a: {  	_ =	shalt  }
0x4b: {  	_ =	shalt  }
0x4c: {  	_ =	shalt  }
0x4d: {  	_ =	shalt  }
0x4e: {  	_ =	shalt  }
0x4f: {  	_ =	shalt  }
0x50: {  	_ =	shalt  }
0x51: {  	_ =	shalt  }
0x52: {  	_ =	shalt  }
0x53: {  	_ =	shalt  }
0x54: {  	_ =	shalt  }
0x55: {  	_ =	shalt  }
0x56: {  	_ =	shalt  }
0x57: {  	_ =	shalt  }
0x58: {  	_ =	shalt  }
0x59: {  	_ =	shalt  }
0x5a: {  	_ =	shalt  }
0x5b: {  	_ =	shalt  }
0x5c: {  	_ =	shalt  }
0x5d: {  	_ =	shalt  }
0x5e: {  	_ =	shalt  }
0x5f: {  	_ =	shalt  }
0x60: {  	_ =	shalt  }
0x61: {  	_ =	shalt  }
0x62: {  	_ =	shalt  }
0x63: {  	_ =	shalt  }
0x64: {  	_ =	shalt  }
0x65: {  	_ =	shalt  }
0x66: {  	_ =	shalt  }
0x67: {  	_ =	shalt  }
0x68: {  	_ =	shalt  }
0x69: {  	_ =	shalt  }
0x6a: {  	_ =	shalt  }
0x6b: {  	_ =	shalt  }
0x6c: {  	_ =	shalt  }
0x6d: {  	_ =	shalt  }
0x6e: {  	_ =	shalt  }
0x6f: {  	_ =	shalt  }
0x70: {  	_ =	shalt  }
0x71: {  	_ =	shalt  }
0x72: {  	_ =	shalt  }
0x73: {  	_ =	shalt  }
0x74: {  	_ =	shalt  }
0x75: {  	_ =	shalt  }
0x76: {  	_ =	shalt  }
0x77: {  	_ =	shalt  }
0x78: {  	_ =	shalt  }
0x79: {  	_ =	shalt  }
0x7a: {  	_ =	shalt  }
0x7b: {  	_ =	shalt  }
0x7c: {  	_ =	shalt  }
0x7d: {  	_ =	shalt  }
0x7e: {  	_ =	shalt  }
0x7f: {  	_ =	shalt  }
0x80: {  	_ =	shalt  }
0x81: {  	_ =	shalt  }
0x82: {  	_ =	shalt  }
0x83: {  	_ =	shalt  }
0x84: {  	_ =	shalt  }
0x85: {  	_ =	shalt  }
0x86: {  	_ =	shalt  }
0x87: {  	_ =	shalt  }
.Lfunc_end0:
.L_simem_size_0:
called_computation_lowered:
.L_overlay_start_0:
0x88: {  	s2 =	sld [smem:$0x3FD9]  }
0x89: {  	s3 =	sld [smem:$0x3FFE];
	_ =	sdelay $0x1  }
0x8a: {  	s1 =	srdreg.scid  }
0x8b: {  	s0 =	sand.u32 $0x1, s1  }
0x8c: {  	s17 =	sshll.u32 s0, $0xA;
	s2 =	sadd.s32 s3, s2  }
0x8d: {  	s2 =	sadd.s32 s2, s17  }
0x8e: {  	[smem:$0x3FBA] =	sst s2  }
0x8f: {  	_ = 	snop  }
0x90: {  	s2 =	sld [smem:$0x3FD0];
	(tm) =	ssettm $0x1  }
0x91: {  	s18 =	sld [smem:$0x3FFB];
	_ =	sdelay $0x3  }
0x92: {  	_ =	strace s18  }
0x93: {  	s3 =	sld [smem:$0x3FFC];
	_ =	sdelay $0x3  }
0x94: {  	_ =	strace s3  }
0x95: {  	s3 =	sld [smem:$0x3FFD];
	_ =	sdelay $0x3  }
0x96: {  	_ =	strace s3  }
0x97: {  	_ =	strace $0x8FFFFFFF  }
0x98: {  	s19 =	sld [smem:$0x3FDB];
	_ =	sdelay $0x1  }
0x99: {  	s4 =	simm.s32 $_scs_section_size  }
0x9a: {  	s5 =	simm.s32 $_size__tile_overlayer_lowered;
	s6 =	simm.s32 $_tile_overlayer_lowered  }
0x9b: {  	s22 =	simm.s32 $0x1BFF;
	s21 =	sshll.u32 s6, $0x1;
	s3 =	sadd.s32 s4, s19  }
0x9c: {  	s7 =	simm.s32 $0x0;
	s20 =	sshll.u32 s5, $0x1;
	s5 =	sadd.s32 s21, s3  }
0x9d: {  	[timem:s7], [sflag:s22] =	dma.local [hbm:s5], s20  }
0x9e: {  	_ =	swait.ge [sflag:s22], s20  }
0x9f: {  	s4 =	ssub.s32 $0x0, s20;
	[sflag:s22] =	ssyncset.done $0x0  }
0xa0: {  	[sflag:s22] =	ssyncadd.s32 s4;
	_ =	sdelay $0x1  }
0xa1: {  	s23 =	simm.s32 $0x1B8B  }
0xa2: {  	_ =	swait.ge [sflag:s23], $0x1  }
0xa3: {  	[sflag:s23] =	ssyncset.done $0x0  }
0xa4: {  	s25 =	simm.s32 $0x1B8E;
	s24 =	sld [smem:$0x3FFE];
	[sflag:s23] =	ssyncadd.s32 $0xFFFFFFFF  }
0xa5: {  	s26 =	simm.s32 $execute0_lowered;
	[smem:$0x3FD2] =	sst s25  }
0xa6: {  	s5 =	sshll.u32 s26, $0x1;
	_ =	strace $0x80000046;
	[dreg:$0x1] =	wrdreg $0xFFFFFFFF  }
0xa7: {  	s28 =	simm.s32 $_size_execute0_lowered;
	s3 =	sadd.s32 s3, s5;
	[dreg:$0x0] =	wrdreg $0x0  }
0xa8: {  	s5 =	sshll.u32 s28, $0x1;
	[dreg:$0x2] =	wrdreg s3  }
0xa9: {  	[dreg:$0x3] =	wrdreg s5  }
0xaa: {  	[dreg:$0x4] =	wrdreg $0xC0  }
0xab: {  	_ =	task [dreg:s7], $0x5FFFF  }
0xac: {  	[dreg:$0x1] =	wrdreg $0xFFFFFFFF  }
0xad: {  	[dreg:$0x0] =	wrdreg $0x60  }
0xae: {  	[dreg:$0x2] =	wrdreg s24  }
0xaf: {  	[dreg:$0x3] =	wrdreg s2  }
0xb0: {  	[dreg:$0x4] =	wrdreg $0x160000  }
0xb1: {  	[dreg:$0x5] =	wrdreg $0xE0000  }
0xb2: {  	[dreg:$0x6] =	wrdreg $0x68000  }
0xb3: {  	[dreg:$0x7] =	wrdreg $0x9  }
0xb4: {  	_ =	task.clear_ibuf [dreg:s7], $0x8FFFF;
	_ =	strace $0x90000046  }
0xb5: {  	s29 =	simm.s32 $0x9;
	_ =	strace $0x80000048  }
0xb6: {  	_ =	swait.ge [sflag:s29], $0x1  }
0xb7: {  	[sflag:s29] =	ssyncadd.s32 $0xFFFFFFFF  }
0xb8: {  	_ =	strace $0x90000048  }
0xb9: {  	_ =	sfence  }
0xba: {  	s30 =	sld [smem:$0x0];
	_ =	sdelay $0x2  }
0xbb: {  	s31 =	sshll.u32 s1, $0xD;
	s1 =	sshrl.u32 s1, $0x2  }
0xbc: {  	s3 =	sand.u32 $0x4000, s31;
	s1 =	sadd.s32 s1, s30  }
0xbd: {  	s0 =	sor.u32 s3, s0;
	s1 =	sshll.u32 s1, $0x11  }
0xbe: {  	s0 =	sor.u32 s1, s0  }
0xbf: {  	s0 =	sadd.s32 $0x8F2B, s0  }
0xc0: {  	[sflag:s0] =	ssyncadd.remote.s32 $0x1  }
0xc1: {  	_ =	sfence.sel $0xFFFF  }
0xc2: {  	[dreg:$0x0] =	wrdreg $0xFFFFFFFF;
	(pc) =	sbr.abs _section_cstart, $3  }
0xc3: {  	[dreg:$0x1] =	wrdreg $0xFFFFFFFF  }
0xc4: {  	_ =	task.clear_ibuf [dreg:s7], $0x2FFFF;
	_ =	strace $0x9FFFFFFF  }
0xc5: {  	(tm) =	ssettm $0x7FFFFFFF  }
tec
execute0_lowered:
.L_overlay_start_1:
0x0: {  	(tag) =	ssettag $0x1  }
0x1: {  	s1 =	rddreg [dreg:$0x0]  }
0x2: {  	s2 =	rddreg [dreg:$0x2]  }
0x3: {  	s0 =	stileid.u32;
	s4 =	rddreg [dreg:$0x3]  }
0x4: {  	s3 =	srdreg.scid;
	s5 =	rddreg [dreg:$0x4];
	s17 =	simm.s32 $0x2  }
0x5: {  	s19 =	simm.s32 $0x15800;
	s20 =	simm.s32 $0x80;
	s13 =	smul.u32 $0x7800, s0  }
0x6: {  	s22 =	simm.s32 $0x5000;
	s3 =	sand.u32 $0x1, s3;
	s9 =	smul.u32 $0x2800, s0  }
0x7: {  	s26 =	simm.s32 $0x0;
	s6 =	sshll.u32 s0, $0x1;
	s8 =	smul.u32 $0xF000, s3  }
0x8: {  	s7 =	sor.u32 s3, s6;
	s6 =	simm.s32 $0x0;
	s10 =	smul.u32 $0x5000, s3  }
0x9: {  	s3 =	ssub.s32 $0x2, s3;
	s7 =	smul.u32 $0x500, s7;
	[smem:$0x7FF] =	sst s6  }
0xa: {  	s24 =	sshrl.u32 s13, $0x3;
	s21 =	sshrl.u32 s9, $0x3;
	s31 =	sshrl.u32 s3, $0x1  }
0xb: {  	s9 =	sadd.s32 s9, s2;
	_ =	strace $0x80000047;
	s15 =	sadd.s32 s24, s1  }
0xc: {  	s12 =	sadd.s32 s21, s1;
	s16 =	sadd.s32 s8, s1;
	s3 =	ssub.s32 s3, s31  }
0xd: {  	s11 =	sadd.s32 s7, s1;
	s1 =	sadd.s32 s10, s1;
	s10 =	sadd.s32 $0x35400, s12  }
0xe: {  	s12 =	sadd.s32 $0x12400, s15;
	s14 =	sadd.s32 $0x3A400, s15;
	s23 =	sadd.s32 $0x71400, s16  }
0xf: {  	s15 =	sadd.s32 $0x3400, s15;
	s25 =	sadd.s32 $0x53400, s16;
	s16 =	smax.u32 s3, $0x1  }
0x10: {  	s7 =	sadd.s32 $0x2B400, s11;
	s8 =	sadd.s32 $0x21400, s11;
	s11 =	sadd.s32 s13, s4  }
0x11: {  	s13 =	sadd.s32 s13, s5;
	s1 =	sadd.s32 $0x49400, s1;
	s23 =	sadd.s32 s24, s23  }
0x12: {  	s24 =	sadd.s32 s24, s25;
	s25 =	simm.s32 $0x1;
	s21 =	sadd.s32 s21, s1  }
.LBB2_1:
0x13: {  	[tilespmem:s6], [sflag:$0x2] =	stream.linear.gather [hbm4b:s7+s6], $0x2800, $0x38;
	[tilespmem:$0x18800] =	vst v63  }
0x14: {  	_ =	swait.ge [sflag:s17], $0x2800  }
0x15: {  	[sflag:s17] =	ssyncset.done $0x0  }
0x16: {  	s0 =	simm.s32 $0x2800;
	[sflag:s17] =	ssyncadd.s32 $0xFFFFD800  }
0x17: {  	[tilespmem:s0], [sflag:$0x2] =	stream.linear.gather [hbm4b:s8+s6], $0x2800, $0x38;
	[tilespmem:$0x18800] =	vst v63  }
0x18: {  	_ =	swait.ge [sflag:s17], $0x2800  }
0x19: {  	[sflag:s17] =	ssyncset.done $0x0  }
0x1a: {  	[sflag:s17] =	ssyncadd.s32 $0xFFFFD800  }
0x1b: {  	s18 =	rddreg [dreg:$0x1]  }
0x1c: {  	[tilespmem:s19], [sflag:$0x2] =	stream.linear.gather [hbm4b:s18+s6], $0x800, $0x38;
	[tilespmem:$0x18800] =	vst v63  }
0x1d: {  	s1 =	stileid.u32;
	_ =	swait.ge [sflag:s17], $0x800  }
0x1e: {  	s1 =	sshll.u32 s1, $0x6;
	[sflag:s17] =	ssyncset.done $0x0  }
0x1f: {  	s30 =	sshrl.u32 s9, $0x3;
	s28 =	sor.u32 $0x1C02, s1;
	[sflag:s17] =	ssyncadd.s32 $0xFFFFF800  }
0x20: {  	[spmem:s30], [sflag:s28] =	dma.local [hbm:s10], $0x500  }
0x21: {  	_ =	swait.ge [sflag:s17], $0x500  }
0x22: {  	[sflag:s17] =	ssyncset.done $0x0  }
0x23: {  	s31 =	sshrl.u32 s11, $0x3;
	[sflag:s17] =	ssyncadd.s32 $0xFFFFFB00  }
0x24: {  	[spmem:s31], [sflag:s28] =	dma.local [hbm:s12], $0xF00  }
0x25: {  	_ =	swait.ge [sflag:s17], $0xF00  }
0x26: {  	[sflag:s17] =	ssyncset.done $0x0  }
0x27: {  	s29 =	sshrl.u32 s13, $0x3;
	[sflag:s17] =	ssyncadd.s32 $0xFFFFF100  }
0x28: {  	[spmem:s29], [sflag:s28] =	dma.local [hbm:s14], $0xF00  }
0x29: {  	_ =	swait.ge [sflag:s17], $0xF00  }
0x2a: {  	[sflag:s17] =	ssyncset.done $0x0  }
0x2b: {  	[sflag:s17] =	ssyncadd.s32 $0xFFFFF100  }
0x2c: {  	s3 =	simm.s32 $0x0;
	[bflag:$0x0] =	sbarrier.arrive $0xFFFF  }
0x2d: {  	[tilespmem:s22], [sflag:$0x1] =	stream.indirect.gather [spmem:s4], $0x30, s3, s20, $0xb8;
	[tilespmem:$0x18800] =	vst v63  }
0x2e: {  	_ =	swait.ge [sflag:s25], $0x1800  }
0x2f: {  	[sflag:s25] =	ssyncset.done $0x0  }
0x30: {  	s18 =	simm.s32 $0x2800;
	[sflag:s25] =	ssyncadd.s32 $0xFFFFE800  }
0x31: {  	[spmem:s5] =	stream.indirect.scatter.add.f32 [tilespmem:s22], [sflag:$0x2], $0x30, s18, s20, $0xb8;
	[tilespmem:$0x18800] =	vst v63  }
0x32: {  	_ =	swait.ge [sflag:s17], $0x1800  }
0x33: {  	[sflag:s17] =	ssyncset.done $0x0  }
0x34: {  	[sflag:s17] =	ssyncadd.s32 $0xFFFFE800  }
0x35: {  	[spmem:s2] =	stream.indirect.scatter.add.f32 [tilespmem:s19], [sflag:$0x2], $0x10, s18, s20, $0xb8;
	[tilespmem:$0x18800] =	vst v63  }
0x36: {  	_ =	swait.ge [sflag:s17], $0x800  }
0x37: {  	s1 =	simm.s32 $0x400;
	s3 =	simm.s32 $0x200;
	[sflag:s17] =	ssyncset.done $0x0  }
.LBB2_2:
0x38: {  	s0 =	sshra.s32 s3, $0x2  }
0x39: {  	[sflag:s17] =	ssyncadd.s32 $0xFFFFF800;
	s3 =	smov.u32 s1;
	s18 =	sadd.s32 $0x200, s1  }
0x3a: {  	[tilespmem:s22], [sflag:$0x1] =	stream.indirect.gather [spmem:s4], $0x30, s0, s20, $0xb8;
	[tilespmem:$0x18800] =	vst v63  }
0x3b: {  	p0 =	sne.s32 s1, $0x9E00;
	_ =	swait.ge [sflag:s25], $0x1800  }
0x3c: {  	[sflag:s25] =	ssyncset.done $0x0  }
0x3d: {  	s0 =	sadd.s32 $0x2800, s0;
	[sflag:s25] =	ssyncadd.s32 $0xFFFFE800  }
0x3e: {  	[spmem:s5] =	stream.indirect.scatter.add.f32 [tilespmem:s22], [sflag:$0x2], $0x30, s0, s20, $0xb8;
	[tilespmem:$0x18800] =	vst v63  }
0x3f: {  	_ =	swait.ge [sflag:s17], $0x1800  }
.Ltmp0:
0x40: {  	[sflag:s17] =	ssyncset.done $0x0;
	(pc) =	sbr.rel @p0 .LBB2_2-.Ltmp0, $4  }
0x41: {  	[sflag:s17] =	ssyncadd.s32 $0xFFFFE800  }
0x42: {  	[spmem:s2] =	stream.indirect.scatter.add.f32 [tilespmem:s19], [sflag:$0x2], $0x10, s0, s20, $0xb8;
	[tilespmem:$0x18800] =	vst v63  }
0x43: {  	_ =	swait.ge [sflag:s17], $0x800  }
0x44: {  	s1 =	smov.u32 s18;
	[sflag:s17] =	ssyncset.done $0x0  }
0x45: {  	s0 =	sshra.s32 s3, $0x2;
	[sflag:s17] =	ssyncadd.s32 $0xFFFFF800  }
0x46: {  	[tilespmem:s22], [sflag:$0x1] =	stream.indirect.gather [spmem:s4], $0x30, s0, s20, $0xb8;
	[tilespmem:$0x18800] =	vst v63  }
0x47: {  	_ =	swait.ge [sflag:s25], $0x1800  }
0x48: {  	[sflag:s25] =	ssyncset.done $0x0  }
0x49: {  	s0 =	sadd.s32 $0x2800, s0;
	[sflag:s25] =	ssyncadd.s32 $0xFFFFE800  }
0x4a: {  	[spmem:s5] =	stream.indirect.scatter.add.f32 [tilespmem:s22], [sflag:$0x2], $0x30, s0, s20, $0xb8;
	[tilespmem:$0x18800] =	vst v63  }
0x4b: {  	_ =	swait.ge [sflag:s17], $0x1800  }
0x4c: {  	[sflag:s17] =	ssyncset.done $0x0  }
0x4d: {  	[sflag:s17] =	ssyncadd.s32 $0xFFFFE800  }
0x4e: {  	[spmem:s2] =	stream.indirect.scatter.add.f32 [tilespmem:s19], [sflag:$0x2], $0x10, s0, s20, $0xb8;
	[tilespmem:$0x18800] =	vst v63  }
0x4f: {  	_ =	swait.ge [sflag:s17], $0x800  }
0x50: {  	[sflag:s17] =	ssyncset.done $0x0  }
0x51: {  	[sflag:s17] =	ssyncadd.s32 $0xFFFFF800  }
0x52: {  	[bflag:$0x0] =	sbarrier.arrive $0xFFFF  }
0x53: {  	[hbm:s23], [sflag:s28] =	dma.local [spmem:s29], $0xF00  }
0x54: {  	_ =	swait.ge [sflag:s17], $0xF00  }
0x55: {  	[sflag:s17] =	ssyncset.done $0x0  }
0x56: {  	[sflag:s17] =	ssyncadd.s32 $0xFFFFF100  }
0x57: {  	[hbm:s21], [sflag:s28] =	dma.local [spmem:s30], $0x500  }
0x58: {  	_ =	swait.ge [sflag:s17], $0x500  }
0x59: {  	[sflag:s17] =	ssyncset.done $0x0  }
0x5a: {  	[sflag:s17] =	ssyncadd.s32 $0xFFFFFB00  }
0x5b: {  	[spmem:s31], [sflag:s28] =	dma.local [hbm:s15], $0xF00  }
0x5c: {  	_ =	swait.ge [sflag:s17], $0xF00  }
0x5d: {  	[sflag:s17] =	ssyncset.done $0x0  }
0x5e: {  	[sflag:s17] =	ssyncadd.s32 $0xFFFFF100  }
0x5f: {  	[spmem:s29], [sflag:s28] =	dma.local [hbm:s14], $0xF00  }
0x60: {  	_ =	swait.ge [sflag:s17], $0xF00  }
0x61: {  	[sflag:s17] =	ssyncset.done $0x0  }
0x62: {  	[sflag:s17] =	ssyncadd.s32 $0xFFFFF100  }
0x63: {  	s30 =	simm.s32 $0x0;
	[bflag:$0x0] =	sbarrier.arrive $0xFFFF  }
0x64: {  	[tilespmem:s22], [sflag:$0x1] =	stream.indirect.gather [spmem:s4], $0x30, s30, s20, $0xb8;
	[tilespmem:$0x18800] =	vst v63  }
0x65: {  	_ =	swait.ge [sflag:s25], $0x1800  }
0x66: {  	[sflag:s25] =	ssyncset.done $0x0  }
0x67: {  	s31 =	simm.s32 $0x2800;
	[sflag:s25] =	ssyncadd.s32 $0xFFFFE800  }
0x68: {  	[spmem:s5] =	stream.indirect.scatter.add.f32 [tilespmem:s22], [sflag:$0x2], $0x30, s31, s20, $0xb8;
	[tilespmem:$0x18800] =	vst v63  }
0x69: {  	_ =	swait.ge [sflag:s17], $0x1800  }
0x6a: {  	s3 =	simm.s32 $0x200;
	s1 =	simm.s32 $0x400;
	[sflag:s17] =	ssyncset.done $0x0  }
.LBB2_4:
0x6b: {  	s0 =	sshra.s32 s3, $0x2  }
0x6c: {  	[sflag:s17] =	ssyncadd.s32 $0xFFFFE800;
	s3 =	smov.u32 s1;
	s18 =	sadd.s32 $0x200, s1  }
0x6d: {  	[tilespmem:s22], [sflag:$0x1] =	stream.indirect.gather [spmem:s4], $0x30, s0, s20, $0xb8;
	[tilespmem:$0x18800] =	vst v63  }
0x6e: {  	p0 =	sne.s32 s1, $0x9E00;
	_ =	swait.ge [sflag:s25], $0x1800  }
.Ltmp1:
0x6f: {  	[sflag:s25] =	ssyncset.done $0x0;
	(pc) =	sbr.rel @p0 .LBB2_4-.Ltmp1, $4  }
0x70: {  	s0 =	sadd.s32 $0x2800, s0;
	[sflag:s25] =	ssyncadd.s32 $0xFFFFE800  }
0x71: {  	[spmem:s5] =	stream.indirect.scatter.add.f32 [tilespmem:s22], [sflag:$0x2], $0x30, s0, s20, $0xb8;
	[tilespmem:$0x18800] =	vst v63  }
0x72: {  	_ =	swait.ge [sflag:s17], $0x1800  }
0x73: {  	s1 =	smov.u32 s18;
	[sflag:s17] =	ssyncset.done $0x0  }
0x74: {  	s0 =	sshra.s32 s3, $0x2;
	[sflag:s17] =	ssyncadd.s32 $0xFFFFE800  }
0x75: {  	[tilespmem:s22], [sflag:$0x1] =	stream.indirect.gather [spmem:s4], $0x30, s0, s20, $0xb8;
	[tilespmem:$0x18800] =	vst v63  }
0x76: {  	_ =	swait.ge [sflag:s25], $0x1800  }
0x77: {  	[sflag:s25] =	ssyncset.done $0x0  }
0x78: {  	s0 =	sadd.s32 $0x2800, s0;
	[sflag:s25] =	ssyncadd.s32 $0xFFFFE800  }
0x79: {  	[spmem:s5] =	stream.indirect.scatter.add.f32 [tilespmem:s22], [sflag:$0x2], $0x30, s0, s20, $0xb8;
	[tilespmem:$0x18800] =	vst v63  }
0x7a: {  	_ =	swait.ge [sflag:s17], $0x1800  }
0x7b: {  	s26 =	sadd.s32 $0x1, s26;
	[sflag:s17] =	ssyncset.done $0x0  }
0x7c: {  	p0 =	sne.s32 s26, s16;
	[sflag:s17] =	ssyncadd.s32 $0xFFFFE800  }
.Ltmp2:
0x7d: {  	[bflag:$0x0] =	sbarrier.arrive $0xFFFF;
	(pc) =	sbr.rel @p0 .LBB2_1-.Ltmp2, $4  }
0x7e: {  	[hbm:s24], [sflag:s28] =	dma.local [spmem:s29], $0xF00  }
0x7f: {  	_ =	swait.ge [sflag:s17], $0xF00  }
0x80: {  	[sflag:s17] =	ssyncset.done $0x0  }
0x81: {  	[sflag:s17] =	ssyncadd.s32 $0xFFFFF100  }
0x82: {  	_ =	sfence.sel $0x180000  }
0x83: {  	[bflag:$0x0] =	sbarrier.arrive $0xFFFF  }
0x84: {  	_ =	strace $0x90000047  }
0x85: {  	s0 =	stileid.u32;
	[bflag:$0x2] =	sbarrier.arrive $0xFFFF  }
0x86: {  	p0 =	sne.s32 s0, $0x0;
	s0 =	rddreg [dreg:$0x5]  }
0x87: {  	s0 =	sadd.s32 @!p0 $0x100000, s0  }
0x88: {  	[sflag:s0] =	ssyncadd.tile.s32 @!p0 $0x1;
	_ =	shalt  }
.Lfunc_end2:
_tile_overlayer_lowered:
.L_overlay_start_2:
0x89: {  	(tag) =	ssettag $0x2  }
0x8a: {  	s0 =	rddreg [dreg:$0x0];
	s2 =	stileid.u32  }
0x8b: {  	s1 =	rddreg [dreg:$0x1];
	p0 =	sne.s32 s2, $0x0  }
0x8c: {  	s3 =	rddreg [dreg:$0x2];
	[bflag:$0x3] =	sbarrier.arrive $0xFFFF;
	s2 =	simm.s32 @!p0 $0x1C02  }
0x8d: {  	[timem:s3], [sflag:s2] =	dma.local @!p0 [hbm:s0], s1  }
0x8e: {  	s0 =	simm.s32 @!p0 $0x2  }
0x8f: {  	_ =	swait.ge @!p0 [sflag:s0], s1  }
0x90: {  	s1 =	ssub.s32 @!p0 $0x0, s1;
	[sflag:s0] =	ssyncset.done @!p0 $0x0  }
0x91: {  	[sflag:s0] =	ssyncadd.s32 @!p0 s1  }
0x92: {  	[bflag:$0x3] =	sbarrier.arrive $0xFFFF  }
0x93: {  	_ =	shalt  }

// kernel: kernel.14.cloned.1.call-start
scs
__scs_entry_jumppad:
0x0: {  	(pc) =	sbr.rel $0x88, $3  }
0x1: {  	(tag) =	ssettag $0x0;
	lr =	simm.s32 $0x1  }
0x2: {  	[smem:$0x3F93] =	sst lr;
	_ =	strace $0xD0000000  }
0x3: {  	_ = 	snop  }
0x4: {  	_ = 	snop  }
0x5: {  	_ = 	snop  }
0x6: {  	_ = 	snop  }
0x7: {  	_ = 	snop  }
__scs_overlays_trampoline_lowered:
0x8: {  	[smem:$0x3FA2] =	sst s0  }
0x9: {  	[smem:$0x3FA3] =	sst s1  }
0xa: {  	[smem:$0x3FA4] =	sst s2  }
0xb: {  	[smem:$0x3FA5] =	sst s3  }
0xc: {  	[smem:$0x3FA6] =	sst s4  }
0xd: {  	[smem:$0x3FA7] =	sst s5  }
0xe: {  	[smem:$0x3FA8] =	sst s6  }
0xf: {  	[smem:$0x3FA9] =	sst s7  }
0x10: {  	[smem:$0x3FAA] =	sst s8  }
0x11: {  	[smem:$0x3FAB] =	sst s9;
	s0 =	simm.s32 @!p0 $0x0  }
0x12: {  	s1 =	sld [smem:$0x3F91];
	s0 =	simm.s32 @p0 $0x1  }
0x13: {  	[smem:$0x3FAC] =	sst s0;
	s0 =	simm.s32 @!p1 $0x0  }
0x14: {  	s2 =	sld [smem:$0x3F90];
	s0 =	simm.s32 @p1 $0x1  }
0x15: {  	[smem:$0x3FAD] =	sst s0;
	s0 =	simm.s32 @!p2 $0x0  }
0x16: {  	s3 =	sld [smem:$0x3FDB];
	s0 =	simm.s32 @p2 $0x1  }
0x17: {  	s4 =	simm.s32 $0x1BF5;
	[smem:$0x3FAF] =	sst s0  }
0x18: {  	s0 =	sld [smem:$0x3F92];
	_ =	swait.ge [sflag:s4], $0x0  }
0x19: {  	s7 =	sld [smem:$0x3F93]  }
0x1a: {  	s8 =	sadd.s32 $0xFFFFE003, lr  }
0x1b: {  	s9 =	sadd.s32 $0xFFFFFEF7, lr;
	s5 =	simm.s32 $0xFFFFFFFF;
	p2 =	slt.u32 s8, $0xFFFFF086  }
0x1c: {  	p1 =	slt.u32 s9, $0xF7A;
	s5 =	simm.s32 @!p2 $0x0  }
0x1d: {  	s5 =	simm.s32 @p1 $0x1;
	p0 =	seq.s32 s7, s2  }
0x1e: {  	s7 =	smul.u32 @!p0 $0xF7A, s2;
	p2 =	seq.s32 @!p0 s5, $0x0  }
0x1f: {  	s9 =	smul.u32 $0xF7A, s1;
	s8 =	simm.s32 @!p0 $0x1BF5;
	p2 =	por !p2, p0  }
0x20: {  	[sflag:s8] =	ssyncset.s32 @!p0 $0xFFFFF086;
	s6 =	sadd.s32 @!p0 s3, s7;
	s7 =	simm.s32 @!p0 $0x108  }
0x21: {  	s3 =	sadd.s32 s3, s9;
	s6 =	sadd.s32 @!p0 $0x88, s6;
	s7 =	simm.s32 @p2 $0x1082  }
0x22: {  	[simem:s7], [sflag:s8] =	dma.local @!p0 [hbm:s6], $0xF7A  }
0x23: {  	s9 =	sor.u32 $0xD0000000, s2;
	s6 =	simm.s32 $0x108;
	_ =	swait.ge @!p0 [sflag:s8], $0x0  }
0x24: {  	s3 =	sadd.s32 $0x88, s3;
	s6 =	simm.s32 @!p1 $0x1082;
	[sflag:s4] =	ssyncset.s32 $0xFFFFF086  }
0x25: {  	[simem:s6], [sflag:s4] =	dma.local [hbm:s3], $0xF7A  }
0x26: {  	[smem:$0x3F93] =	sst s1;
	(tag) =	ssettag s2;
	_ =	strace s9  }
0x27: {  	s1 =	sld [smem:$0x3FA3]  }
0x28: {  	s2 =	sld [smem:$0x3FA4]  }
0x29: {  	s4 =	sld [smem:$0x3FA6]  }
0x2a: {  	p0 =	seq.s32 s5, $0x0;
	s5 =	sld [smem:$0x3FA7]  }
0x2b: {  	s6 =	sld [smem:$0x3FA8]  }
0x2c: {  	s7 =	sld [smem:$0x3FA9]  }
0x2d: {  	s3 =	simm.s32 $0x108;
	s8 =	sld [smem:$0x3FAA]  }
0x2e: {  	s3 =	simm.s32 @!p0 $0x1082;
	s9 =	sld [smem:$0x3FAB]  }
0x2f: {  	lr =	sadd.s32 s0, s3;
	s0 =	sld [smem:$0x3FA2]  }
0x30: {  	s3 =	sld [smem:$0x3FA5]  }
0x31: {  	[smem:$0x3FAE] =	sst s10  }
0x32: {  	s10 =	sld [smem:$0x3FAC];
	_ =	sdelay $0x3  }
0x33: {  	p0 =	seq.s32 s10, $0x1;
	s10 =	sld [smem:$0x3FAE];
	_ =	sdelay $0x3  }
0x34: {  	[smem:$0x3FAE] =	sst s10  }
0x35: {  	s10 =	sld [smem:$0x3FAD];
	_ =	sdelay $0x3  }
0x36: {  	p1 =	seq.s32 s10, $0x1;
	s10 =	sld [smem:$0x3FAE];
	_ =	sdelay $0x3  }
0x37: {  	[smem:$0x3FAE] =	sst s10  }
0x38: {  	s10 =	sld [smem:$0x3FAF]  }
0x39: {  	_ = 	snop;
	(pc) =	sbr.ind lr, $3  }
0x3a: {  	_ = 	snop  }
0x3b: {  	_ = 	snop  }
0x3c: {  	p2 =	seq.s32 s10, $0x1;
	s10 =	sld [smem:$0x3FAE]  }
0x3d: {  	_ =	shalt  }
0x3e: {  	_ =	shalt  }
0x3f: {  	_ =	shalt  }
0x40: {  	_ =	shalt  }
0x41: {  	_ =	shalt  }
0x42: {  	_ =	shalt  }
0x43: {  	_ =	shalt  }
0x44: {  	_ =	shalt  }
0x45: {  	_ =	shalt  }
0x46: {  	_ =	shalt  }
0x47: {  	_ =	shalt  }
0x48: {  	_ =	shalt  }
0x49: {  	_ =	shalt  }
0x4a: {  	_ =	shalt  }
0x4b: {  	_ =	shalt  }
0x4c: {  	_ =	shalt  }
0x4d: {  	_ =	shalt  }
0x4e: {  	_ =	shalt  }
0x4f: {  	_ =	shalt  }
0x50: {  	_ =	shalt  }
0x51: {  	_ =	shalt  }
0x52: {  	_ =	shalt  }
0x53: {  	_ =	shalt  }
0x54: {  	_ =	shalt  }
0x55: {  	_ =	shalt  }
0x56: {  	_ =	shalt  }
0x57: {  	_ =	shalt  }
0x58: {  	_ =	shalt  }
0x59: {  	_ =	shalt  }
0x5a: {  	_ =	shalt  }
0x5b: {  	_ =	shalt  }
0x5c: {  	_ =	shalt  }
0x5d: {  	_ =	shalt  }
0x5e: {  	_ =	shalt  }
0x5f: {  	_ =	shalt  }
0x60: {  	_ =	shalt  }
0x61: {  	_ =	shalt  }
0x62: {  	_ =	shalt  }
0x63: {  	_ =	shalt  }
0x64: {  	_ =	shalt  }
0x65: {  	_ =	shalt  }
0x66: {  	_ =	shalt  }
0x67: {  	_ =	shalt  }
0x68: {  	_ =	shalt  }
0x69: {  	_ =	shalt  }
0x6a: {  	_ =	shalt  }
0x6b: {  	_ =	shalt  }
0x6c: {  	_ =	shalt  }
0x6d: {  	_ =	shalt  }
0x6e: {  	_ =	shalt  }
0x6f: {  	_ =	shalt  }
0x70: {  	_ =	shalt  }
0x71: {  	_ =	shalt  }
0x72: {  	_ =	shalt  }
0x73: {  	_ =	shalt  }
0x74: {  	_ =	shalt  }
0x75: {  	_ =	shalt  }
0x76: {  	_ =	shalt  }
0x77: {  	_ =	shalt  }
0x78: {  	_ =	shalt  }
0x79: {  	_ =	shalt  }
0x7a: {  	_ =	shalt  }
0x7b: {  	_ =	shalt  }
0x7c: {  	_ =	shalt  }
0x7d: {  	_ =	shalt  }
0x7e: {  	_ =	shalt  }
0x7f: {  	_ =	shalt  }
0x80: {  	_ =	shalt  }
0x81: {  	_ =	shalt  }
0x82: {  	_ =	shalt  }
0x83: {  	_ =	shalt  }
0x84: {  	_ =	shalt  }
0x85: {  	_ =	shalt  }
0x86: {  	_ =	shalt  }
0x87: {  	_ =	shalt  }
.Lfunc_end0:
.L_simem_size_0:
called_computation.1_lowered:
.L_overlay_start_0:
0x88: {  	s2 =	sld [smem:$0x3FD9]  }
0x89: {  	s3 =	sld [smem:$0x3FFE];
	_ =	sdelay $0x1  }
0x8a: {  	s1 =	srdreg.scid  }
0x8b: {  	s0 =	sand.u32 $0x1, s1  }
0x8c: {  	s16 =	sshll.u32 s0, $0xA;
	s2 =	sadd.s32 s3, s2  }
0x8d: {  	s2 =	sadd.s32 s2, s16  }
0x8e: {  	[smem:$0x3FBA] =	sst s2  }
0x8f: {  	_ = 	snop  }
0x90: {  	(tm) =	ssettm $0x1  }
0x91: {  	s17 =	sld [smem:$0x3FFB];
	_ =	sdelay $0x3  }
0x92: {  	_ =	strace s17  }
0x93: {  	s2 =	sld [smem:$0x3FFC];
	_ =	sdelay $0x3  }
0x94: {  	_ =	strace s2  }
0x95: {  	s2 =	sld [smem:$0x3FFD];
	_ =	sdelay $0x3  }
0x96: {  	_ =	strace s2  }
0x97: {  	_ =	strace $0x8FFFFFFF  }
0x98: {  	s18 =	sld [smem:$0x3FDB];
	_ =	sdelay $0x1  }
0x99: {  	s19 =	simm.s32 $_scs_section_size  }
0x9a: {  	s4 =	simm.s32 $_size__tile_overlayer_lowered;
	s5 =	simm.s32 $_tile_overlayer_lowered  }
0x9b: {  	s22 =	simm.s32 $0x1BFF;
	s21 =	sshll.u32 s5, $0x1;
	s2 =	sadd.s32 s19, s18  }
0x9c: {  	s6 =	simm.s32 $0x0;
	s20 =	sshll.u32 s4, $0x1;
	s4 =	sadd.s32 s21, s2  }
0x9d: {  	[timem:s6], [sflag:s22] =	dma.local [hbm:s4], s20  }
0x9e: {  	_ =	swait.ge [sflag:s22], s20  }
0x9f: {  	s3 =	ssub.s32 $0x0, s20;
	[sflag:s22] =	ssyncset.done $0x0  }
0xa0: {  	[sflag:s22] =	ssyncadd.s32 s3;
	_ =	sdelay $0x1  }
0xa1: {  	s23 =	simm.s32 $0x1B8B  }
0xa2: {  	_ =	swait.ge [sflag:s23], $0x1  }
0xa3: {  	[sflag:s23] =	ssyncset.done $0x0  }
0xa4: {  	s25 =	simm.s32 $0x1B8E;
	s24 =	sld [smem:$0x3FFE];
	[sflag:s23] =	ssyncadd.s32 $0xFFFFFFFF  }
0xa5: {  	s26 =	simm.s32 $execute0_lowered;
	[smem:$0x3FD2] =	sst s25  }
0xa6: {  	s4 =	sshll.u32 s26, $0x1;
	_ =	strace $0x80000049;
	[dreg:$0x1] =	wrdreg $0xFFFFFFFF  }
0xa7: {  	s28 =	simm.s32 $_size_execute0_lowered;
	s2 =	sadd.s32 s2, s4;
	[dreg:$0x0] =	wrdreg $0x0  }
0xa8: {  	s4 =	sshll.u32 s28, $0x1;
	[dreg:$0x2] =	wrdreg s2  }
0xa9: {  	[dreg:$0x3] =	wrdreg s4  }
0xaa: {  	[dreg:$0x4] =	wrdreg $0xC0  }
0xab: {  	_ =	task [dreg:s6], $0x5FFFF  }
0xac: {  	[dreg:$0x1] =	wrdreg $0xFFFFFFFF  }
0xad: {  	[dreg:$0x0] =	wrdreg $0x60  }
0xae: {  	[dreg:$0x2] =	wrdreg s24  }
0xaf: {  	[dreg:$0x3] =	wrdreg $0x110000  }
0xb0: {  	[dreg:$0x4] =	wrdreg $0x70000  }
0xb1: {  	[dreg:$0x5] =	wrdreg $0x9  }
0xb2: {  	_ =	task.clear_ibuf [dreg:s6], $0x6FFFF;
	_ =	strace $0x90000049  }
0xb3: {  	s29 =	simm.s32 $0x9;
	_ =	strace $0x8000004B  }
0xb4: {  	_ =	swait.ge [sflag:s29], $0x1  }
0xb5: {  	[sflag:s29] =	ssyncadd.s32 $0xFFFFFFFF  }
0xb6: {  	_ =	strace $0x9000004B  }
0xb7: {  	_ =	sfence  }
0xb8: {  	s30 =	sld [smem:$0x0];
	_ =	sdelay $0x2  }
0xb9: {  	s31 =	sshll.u32 s1, $0xD;
	s1 =	sshrl.u32 s1, $0x2  }
0xba: {  	s3 =	sand.u32 $0x4000, s31;
	s1 =	sadd.s32 s1, s30  }
0xbb: {  	s0 =	sor.u32 s3, s0;
	s1 =	sshll.u32 s1, $0x11  }
0xbc: {  	s0 =	sor.u32 s1, s0  }
0xbd: {  	s0 =	sadd.s32 $0x8F2B, s0  }
0xbe: {  	[sflag:s0] =	ssyncadd.remote.s32 $0x1  }
0xbf: {  	_ =	sfence.sel $0xFFFF  }
0xc0: {  	[dreg:$0x0] =	wrdreg $0xFFFFFFFF;
	(pc) =	sbr.abs _section_cstart, $3  }
0xc1: {  	[dreg:$0x1] =	wrdreg $0xFFFFFFFF  }
0xc2: {  	_ =	task.clear_ibuf [dreg:s6], $0x2FFFF;
	_ =	strace $0x9FFFFFFF  }
0xc3: {  	(tm) =	ssettm $0x7FFFFFFF  }
tec
execute0_lowered:
.L_overlay_start_1:
0x0: {  	(tag) =	ssettag $0x1  }
0x1: {  	s5 =	rddreg [dreg:$0x0]  }
0x2: {  	s2 =	rddreg [dreg:$0x1]  }
0x3: {  	s3 =	rddreg [dreg:$0x2]  }
0x4: {  	s0 =	rddreg [dreg:$0x3];
	s6 =	srdreg.scid  }
0x5: {  	s1 =	stileid.u32;
	s4 =	simm.s32 $0x0;
	s15 =	simm.s32 $0x80  }
0x6: {  	s16 =	simm.s32 $0x5000;
	s17 =	simm.s32 $0x1;
	s6 =	sand.u32 $0x1, s6  }
0x7: {  	s7 =	sshll.u32 s1, $0x1;
	[smem:$0x7FF] =	sst s4;
	s8 =	smul.u32 $0xA000, s1  }
0x8: {  	s12 =	sshll.u32 s1, $0x6;
	s7 =	sor.u32 s6, s7;
	_ =	strace $0x8000004A  }
0x9: {  	s9 =	smul.u32 $0x14000, s6;
	s6 =	ssub.s32 $0x2, s6;
	s12 =	sor.u32 $0x1C02, s12  }
0xa: {  	s7 =	smul.u32 $0x500, s7;
	s18 =	sshrl.u32 s8, $0x3;
	s11 =	sshrl.u32 s6, $0x1  }
0xb: {  	s13 =	sadd.s32 s8, s2;
	s14 =	sadd.s32 s8, s3;
	s10 =	sadd.s32 s18, s5  }
0xc: {  	s9 =	sadd.s32 s9, s5;
	s11 =	ssub.s32 s6, s11;
	s13 =	sshrl.u32 s13, $0x3  }
0xd: {  	s14 =	sshrl.u32 s14, $0x3;
	s7 =	sadd.s32 s7, s5;
	s8 =	sadd.s32 $0x3A400, s10  }
0xe: {  	s19 =	sadd.s32 $0x4E400, s9;
	s9 =	smax.u32 s11, $0x1;
	s11 =	simm.s32 $0x2800  }
0xf: {  	s5 =	sadd.s32 $0x2B400, s7;
	s6 =	sadd.s32 $0x21400, s7;
	s7 =	sadd.s32 $0x3400, s10  }
0x10: {  	s10 =	simm.s32 $0x2;
	s18 =	sadd.s32 s18, s19;
	s19 =	simm.s32 $0x0  }
.LBB2_1:
0x11: {  	[tilespmem:s4], [sflag:$0x2] =	stream.linear.gather [hbm4b:s5+s4], $0x2800, $0x38;
	[tilespmem:$0x1B000] =	vst v63  }
0x12: {  	_ =	swait.ge [sflag:s10], $0x2800  }
0x13: {  	[sflag:s10] =	ssyncset.done $0x0  }
0x14: {  	[sflag:s10] =	ssyncadd.s32 $0xFFFFD800  }
0x15: {  	[tilespmem:s11], [sflag:$0x2] =	stream.linear.gather [hbm4b:s6+s4], $0x2800, $0x38;
	[tilespmem:$0x1B000] =	vst v63  }
0x16: {  	_ =	swait.ge [sflag:s10], $0x2800  }
0x17: {  	[sflag:s10] =	ssyncset.done $0x0  }
0x18: {  	[sflag:s10] =	ssyncadd.s32 $0xFFFFD800  }
0x19: {  	[spmem:s13], [sflag:s12] =	dma.local [hbm:s7], $0x1400  }
0x1a: {  	_ =	swait.ge [sflag:s10], $0x1400  }
0x1b: {  	[sflag:s10] =	ssyncset.done $0x0  }
0x1c: {  	[sflag:s10] =	ssyncadd.s32 $0xFFFFEC00  }
0x1d: {  	[spmem:s14], [sflag:s12] =	dma.local [hbm:s8], $0x1400  }
0x1e: {  	_ =	swait.ge [sflag:s10], $0x1400  }
0x1f: {  	[sflag:s10] =	ssyncset.done $0x0  }
0x20: {  	[sflag:s10] =	ssyncadd.s32 $0xFFFFEC00  }
0x21: {  	s20 =	simm.s32 $0x0;
	[bflag:$0x0] =	sbarrier.arrive $0xFFFF  }
0x22: {  	[tilespmem:s16], [sflag:$0x1] =	stream.indirect.gather [spmem:s2], $0x40, s20, s15, $0xb8;
	[tilespmem:$0x1B000] =	vst v63  }
0x23: {  	_ =	swait.ge [sflag:s17], $0x2000  }
0x24: {  	[sflag:s17] =	ssyncset.done $0x0  }
0x25: {  	s31 =	simm.s32 $0x2800;
	[sflag:s17] =	ssyncadd.s32 $0xFFFFE000  }
0x26: {  	[spmem:s3] =	stream.indirect.scatter.add.f32 [tilespmem:s16], [sflag:$0x2], $0x40, s31, s15, $0xb8;
	[tilespmem:$0x1B000] =	vst v63  }
0x27: {  	_ =	swait.ge [sflag:s10], $0x2000  }
0x28: {  	s21 =	simm.s32 $0x400;
	s20 =	simm.s32 $0x200;
	[sflag:s10] =	ssyncset.done $0x0  }
.LBB2_2:
0x29: {  	s22 =	sshra.s32 s20, $0x2  }
0x2a: {  	[sflag:s10] =	ssyncadd.s32 $0xFFFFE000;
	s20 =	smov.u32 s21;
	s23 =	sadd.s32 $0x200, s21  }
0x2b: {  	[tilespmem:s16], [sflag:$0x1] =	stream.indirect.gather [spmem:s2], $0x40, s22, s15, $0xb8;
	[tilespmem:$0x1B000] =	vst v63  }
0x2c: {  	p0 =	sne.s32 s21, $0x9E00;
	_ =	swait.ge [sflag:s17], $0x2000  }
.Ltmp0:
0x2d: {  	[sflag:s17] =	ssyncset.done $0x0;
	(pc) =	sbr.rel @p0 .LBB2_2-.Ltmp0, $4  }
0x2e: {  	s21 =	sadd.s32 $0x2800, s22;
	[sflag:s17] =	ssyncadd.s32 $0xFFFFE000  }
0x2f: {  	[spmem:s3] =	stream.indirect.scatter.add.f32 [tilespmem:s16], [sflag:$0x2], $0x40, s21, s15, $0xb8;
	[tilespmem:$0x1B000] =	vst v63  }
0x30: {  	_ =	swait.ge [sflag:s10], $0x2000  }
0x31: {  	s21 =	smov.u32 s23;
	[sflag:s10] =	ssyncset.done $0x0  }
0x32: {  	s20 =	sshra.s32 s20, $0x2;
	[sflag:s10] =	ssyncadd.s32 $0xFFFFE000  }
0x33: {  	[tilespmem:s16], [sflag:$0x1] =	stream.indirect.gather [spmem:s2], $0x40, s20, s15, $0xb8;
	[tilespmem:$0x1B000] =	vst v63  }
0x34: {  	_ =	swait.ge [sflag:s17], $0x2000  }
0x35: {  	[sflag:s17] =	ssyncset.done $0x0  }
0x36: {  	s20 =	sadd.s32 $0x2800, s20;
	[sflag:s17] =	ssyncadd.s32 $0xFFFFE000  }
0x37: {  	[spmem:s3] =	stream.indirect.scatter.add.f32 [tilespmem:s16], [sflag:$0x2], $0x40, s20, s15, $0xb8;
	[tilespmem:$0x1B000] =	vst v63  }
0x38: {  	_ =	swait.ge [sflag:s10], $0x2000  }
0x39: {  	s19 =	sadd.s32 $0x1, s19;
	[sflag:s10] =	ssyncset.done $0x0  }
0x3a: {  	p0 =	sne.s32 s19, s9;
	[sflag:s10] =	ssyncadd.s32 $0xFFFFE000  }
.Ltmp1:
0x3b: {  	[bflag:$0x0] =	sbarrier.arrive $0xFFFF;
	(pc) =	sbr.rel @p0 .LBB2_1-.Ltmp1, $4  }
0x3c: {  	[hbm:s18], [sflag:s12] =	dma.local [spmem:s14], $0x1400  }
0x3d: {  	_ =	swait.ge [sflag:s10], $0x1400  }
0x3e: {  	[sflag:s10] =	ssyncset.done $0x0  }
0x3f: {  	[sflag:s10] =	ssyncadd.s32 $0xFFFFEC00  }
0x40: {  	_ =	sfence.sel $0x180000  }
0x41: {  	[bflag:$0x0] =	sbarrier.arrive $0xFFFF  }
0x42: {  	p0 =	sne.s32 s1, $0x0;
	_ =	strace $0x9000004A  }
0x43: {  	s0 =	sadd.s32 @!p0 $0x100000, s0;
	[bflag:$0x2] =	sbarrier.arrive $0xFFFF  }
0x44: {  	[sflag:s0] =	ssyncadd.tile.s32 @!p0 $0x1;
	_ =	shalt  }
.Lfunc_end2:
_tile_overlayer_lowered:
.L_overlay_start_2:
0x45: {  	(tag) =	ssettag $0x2  }
0x46: {  	s0 =	rddreg [dreg:$0x0];
	s2 =	stileid.u32  }
0x47: {  	s1 =	rddreg [dreg:$0x1];
	p0 =	sne.s32 s2, $0x0  }
0x48: {  	s3 =	rddreg [dreg:$0x2];
	[bflag:$0x3] =	sbarrier.arrive $0xFFFF;
	s2 =	simm.s32 @!p0 $0x1C02  }
0x49: {  	[timem:s3], [sflag:s2] =	dma.local @!p0 [hbm:s0], s1  }
0x4a: {  	s0 =	simm.s32 @!p0 $0x2  }
0x4b: {  	_ =	swait.ge @!p0 [sflag:s0], s1  }
0x4c: {  	s1 =	ssub.s32 @!p0 $0x0, s1;
	[sflag:s0] =	ssyncset.done @!p0 $0x0  }
0x4d: {  	[sflag:s0] =	ssyncadd.s32 @!p0 s1  }
0x4e: {  	[bflag:$0x3] =	sbarrier.arrive $0xFFFF  }
0x4f: {  	_ =	shalt  }

// kernel: kernel.17.cloned.1.call-start
scs
__scs_entry_jumppad:
0x0: {  	(pc) =	sbr.rel $0x88, $3  }
0x1: {  	(tag) =	ssettag $0x0;
	lr =	simm.s32 $0x1  }
0x2: {  	[smem:$0x3F93] =	sst lr;
	_ =	strace $0xD0000000  }
0x3: {  	_ = 	snop  }
0x4: {  	_ = 	snop  }
0x5: {  	_ = 	snop  }
0x6: {  	_ = 	snop  }
0x7: {  	_ = 	snop  }
__scs_overlays_trampoline_lowered:
0x8: {  	[smem:$0x3FA2] =	sst s0  }
0x9: {  	[smem:$0x3FA3] =	sst s1  }
0xa: {  	[smem:$0x3FA4] =	sst s2  }
0xb: {  	[smem:$0x3FA5] =	sst s3  }
0xc: {  	[smem:$0x3FA6] =	sst s4  }
0xd: {  	[smem:$0x3FA7] =	sst s5  }
0xe: {  	[smem:$0x3FA8] =	sst s6  }
0xf: {  	[smem:$0x3FA9] =	sst s7  }
0x10: {  	[smem:$0x3FAA] =	sst s8  }
0x11: {  	[smem:$0x3FAB] =	sst s9;
	s0 =	simm.s32 @!p0 $0x0  }
0x12: {  	s1 =	sld [smem:$0x3F91];
	s0 =	simm.s32 @p0 $0x1  }
0x13: {  	[smem:$0x3FAC] =	sst s0;
	s0 =	simm.s32 @!p1 $0x0  }
0x14: {  	s2 =	sld [smem:$0x3F90];
	s0 =	simm.s32 @p1 $0x1  }
0x15: {  	[smem:$0x3FAD] =	sst s0;
	s0 =	simm.s32 @!p2 $0x0  }
0x16: {  	s3 =	sld [smem:$0x3FDB];
	s0 =	simm.s32 @p2 $0x1  }
0x17: {  	s4 =	simm.s32 $0x1BF5;
	[smem:$0x3FAF] =	sst s0  }
0x18: {  	s0 =	sld [smem:$0x3F92];
	_ =	swait.ge [sflag:s4], $0x0  }
0x19: {  	s7 =	sld [smem:$0x3F93]  }
0x1a: {  	s8 =	sadd.s32 $0xFFFFE003, lr  }
0x1b: {  	s9 =	sadd.s32 $0xFFFFFEF7, lr;
	s5 =	simm.s32 $0xFFFFFFFF;
	p2 =	slt.u32 s8, $0xFFFFF086  }
0x1c: {  	p1 =	slt.u32 s9, $0xF7A;
	s5 =	simm.s32 @!p2 $0x0  }
0x1d: {  	s5 =	simm.s32 @p1 $0x1;
	p0 =	seq.s32 s7, s2  }
0x1e: {  	s7 =	smul.u32 @!p0 $0xF7A, s2;
	p2 =	seq.s32 @!p0 s5, $0x0  }
0x1f: {  	s9 =	smul.u32 $0xF7A, s1;
	s8 =	simm.s32 @!p0 $0x1BF5;
	p2 =	por !p2, p0  }
0x20: {  	[sflag:s8] =	ssyncset.s32 @!p0 $0xFFFFF086;
	s6 =	sadd.s32 @!p0 s3, s7;
	s7 =	simm.s32 @!p0 $0x108  }
0x21: {  	s3 =	sadd.s32 s3, s9;
	s6 =	sadd.s32 @!p0 $0x88, s6;
	s7 =	simm.s32 @p2 $0x1082  }
0x22: {  	[simem:s7], [sflag:s8] =	dma.local @!p0 [hbm:s6], $0xF7A  }
0x23: {  	s9 =	sor.u32 $0xD0000000, s2;
	s6 =	simm.s32 $0x108;
	_ =	swait.ge @!p0 [sflag:s8], $0x0  }
0x24: {  	s3 =	sadd.s32 $0x88, s3;
	s6 =	simm.s32 @!p1 $0x1082;
	[sflag:s4] =	ssyncset.s32 $0xFFFFF086  }
0x25: {  	[simem:s6], [sflag:s4] =	dma.local [hbm:s3], $0xF7A  }
0x26: {  	[smem:$0x3F93] =	sst s1;
	(tag) =	ssettag s2;
	_ =	strace s9  }
0x27: {  	s1 =	sld [smem:$0x3FA3]  }
0x28: {  	s2 =	sld [smem:$0x3FA4]  }
0x29: {  	s4 =	sld [smem:$0x3FA6]  }
0x2a: {  	p0 =	seq.s32 s5, $0x0;
	s5 =	sld [smem:$0x3FA7]  }
0x2b: {  	s6 =	sld [smem:$0x3FA8]  }
0x2c: {  	s7 =	sld [smem:$0x3FA9]  }
0x2d: {  	s3 =	simm.s32 $0x108;
	s8 =	sld [smem:$0x3FAA]  }
0x2e: {  	s3 =	simm.s32 @!p0 $0x1082;
	s9 =	sld [smem:$0x3FAB]  }
0x2f: {  	lr =	sadd.s32 s0, s3;
	s0 =	sld [smem:$0x3FA2]  }
0x30: {  	s3 =	sld [smem:$0x3FA5]  }
0x31: {  	[smem:$0x3FAE] =	sst s10  }
0x32: {  	s10 =	sld [smem:$0x3FAC];
	_ =	sdelay $0x3  }
0x33: {  	p0 =	seq.s32 s10, $0x1;
	s10 =	sld [smem:$0x3FAE];
	_ =	sdelay $0x3  }
0x34: {  	[smem:$0x3FAE] =	sst s10  }
0x35: {  	s10 =	sld [smem:$0x3FAD];
	_ =	sdelay $0x3  }
0x36: {  	p1 =	seq.s32 s10, $0x1;
	s10 =	sld [smem:$0x3FAE];
	_ =	sdelay $0x3  }
0x37: {  	[smem:$0x3FAE] =	sst s10  }
0x38: {  	s10 =	sld [smem:$0x3FAF]  }
0x39: {  	_ = 	snop;
	(pc) =	sbr.ind lr, $3  }
0x3a: {  	_ = 	snop  }
0x3b: {  	_ = 	snop  }
0x3c: {  	p2 =	seq.s32 s10, $0x1;
	s10 =	sld [smem:$0x3FAE]  }
0x3d: {  	_ =	shalt  }
0x3e: {  	_ =	shalt  }
0x3f: {  	_ =	shalt  }
0x40: {  	_ =	shalt  }
0x41: {  	_ =	shalt  }
0x42: {  	_ =	shalt  }
0x43: {  	_ =	shalt  }
0x44: {  	_ =	shalt  }
0x45: {  	_ =	shalt  }
0x46: {  	_ =	shalt  }
0x47: {  	_ =	shalt  }
0x48: {  	_ =	shalt  }
0x49: {  	_ =	shalt  }
0x4a: {  	_ =	shalt  }
0x4b: {  	_ =	shalt  }
0x4c: {  	_ =	shalt  }
0x4d: {  	_ =	shalt  }
0x4e: {  	_ =	shalt  }
0x4f: {  	_ =	shalt  }
0x50: {  	_ =	shalt  }
0x51: {  	_ =	shalt  }
0x52: {  	_ =	shalt  }
0x53: {  	_ =	shalt  }
0x54: {  	_ =	shalt  }
0x55: {  	_ =	shalt  }
0x56: {  	_ =	shalt  }
0x57: {  	_ =	shalt  }
0x58: {  	_ =	shalt  }
0x59: {  	_ =	shalt  }
0x5a: {  	_ =	shalt  }
0x5b: {  	_ =	shalt  }
0x5c: {  	_ =	shalt  }
0x5d: {  	_ =	shalt  }
0x5e: {  	_ =	shalt  }
0x5f: {  	_ =	shalt  }
0x60: {  	_ =	shalt  }
0x61: {  	_ =	shalt  }
0x62: {  	_ =	shalt  }
0x63: {  	_ =	shalt  }
0x64: {  	_ =	shalt  }
0x65: {  	_ =	shalt  }
0x66: {  	_ =	shalt  }
0x67: {  	_ =	shalt  }
0x68: {  	_ =	shalt  }
0x69: {  	_ =	shalt  }
0x6a: {  	_ =	shalt  }
0x6b: {  	_ =	shalt  }
0x6c: {  	_ =	shalt  }
0x6d: {  	_ =	shalt  }
0x6e: {  	_ =	shalt  }
0x6f: {  	_ =	shalt  }
0x70: {  	_ =	shalt  }
0x71: {  	_ =	shalt  }
0x72: {  	_ =	shalt  }
0x73: {  	_ =	shalt  }
0x74: {  	_ =	shalt  }
0x75: {  	_ =	shalt  }
0x76: {  	_ =	shalt  }
0x77: {  	_ =	shalt  }
0x78: {  	_ =	shalt  }
0x79: {  	_ =	shalt  }
0x7a: {  	_ =	shalt  }
0x7b: {  	_ =	shalt  }
0x7c: {  	_ =	shalt  }
0x7d: {  	_ =	shalt  }
0x7e: {  	_ =	shalt  }
0x7f: {  	_ =	shalt  }
0x80: {  	_ =	shalt  }
0x81: {  	_ =	shalt  }
0x82: {  	_ =	shalt  }
0x83: {  	_ =	shalt  }
0x84: {  	_ =	shalt  }
0x85: {  	_ =	shalt  }
0x86: {  	_ =	shalt  }
0x87: {  	_ =	shalt  }
.Lfunc_end0:
.L_simem_size_0:
called_computation.2_lowered:
.L_overlay_start_0:
0x88: {  	s2 =	sld [smem:$0x3FD9]  }
0x89: {  	s3 =	sld [smem:$0x3FFE];
	_ =	sdelay $0x1  }
0x8a: {  	s1 =	srdreg.scid  }
0x8b: {  	s0 =	sand.u32 $0x1, s1  }
0x8c: {  	s16 =	sshll.u32 s0, $0xA;
	s2 =	sadd.s32 s3, s2  }
0x8d: {  	s2 =	sadd.s32 s2, s16  }
0x8e: {  	[smem:$0x3FBA] =	sst s2  }
0x8f: {  	_ = 	snop  }
0x90: {  	(tm) =	ssettm $0x1  }
0x91: {  	s17 =	sld [smem:$0x3FFB];
	_ =	sdelay $0x3  }
0x92: {  	_ =	strace s17  }
0x93: {  	s2 =	sld [smem:$0x3FFC];
	_ =	sdelay $0x3  }
0x94: {  	_ =	strace s2  }
0x95: {  	s2 =	sld [smem:$0x3FFD];
	_ =	sdelay $0x3  }
0x96: {  	_ =	strace s2  }
0x97: {  	_ =	strace $0x8FFFFFFF  }
0x98: {  	s18 =	sld [smem:$0x3FDB];
	_ =	sdelay $0x1  }
0x99: {  	s19 =	simm.s32 $_scs_section_size  }
0x9a: {  	s4 =	simm.s32 $_size__tile_overlayer_lowered;
	s5 =	simm.s32 $_tile_overlayer_lowered  }
0x9b: {  	s22 =	simm.s32 $0x1BFF;
	s21 =	sshll.u32 s5, $0x1;
	s2 =	sadd.s32 s19, s18  }
0x9c: {  	s6 =	simm.s32 $0x0;
	s20 =	sshll.u32 s4, $0x1;
	s4 =	sadd.s32 s21, s2  }
0x9d: {  	[timem:s6], [sflag:s22] =	dma.local [hbm:s4], s20  }
0x9e: {  	_ =	swait.ge [sflag:s22], s20  }
0x9f: {  	s3 =	ssub.s32 $0x0, s20;
	[sflag:s22] =	ssyncset.done $0x0  }
0xa0: {  	[sflag:s22] =	ssyncadd.s32 s3;
	_ =	sdelay $0x1  }
0xa1: {  	s23 =	simm.s32 $0x1B8B  }
0xa2: {  	_ =	swait.ge [sflag:s23], $0x1  }
0xa3: {  	[sflag:s23] =	ssyncset.done $0x0  }
0xa4: {  	s25 =	simm.s32 $0x1B8E;
	s24 =	sld [smem:$0x3FFE];
	[sflag:s23] =	ssyncadd.s32 $0xFFFFFFFF  }
0xa5: {  	s26 =	simm.s32 $execute0_lowered;
	[smem:$0x3FD2] =	sst s25  }
0xa6: {  	s4 =	sshll.u32 s26, $0x1;
	_ =	strace $0x8000004C;
	[dreg:$0x1] =	wrdreg $0xFFFFFFFF  }
0xa7: {  	s28 =	simm.s32 $_size_execute0_lowered;
	s2 =	sadd.s32 s2, s4;
	[dreg:$0x0] =	wrdreg $0x0  }
0xa8: {  	s4 =	sshll.u32 s28, $0x1;
	[dreg:$0x2] =	wrdreg s2  }
0xa9: {  	[dreg:$0x3] =	wrdreg s4  }
0xaa: {  	[dreg:$0x4] =	wrdreg $0xC0  }
0xab: {  	_ =	task [dreg:s6], $0x5FFFF  }
0xac: {  	[dreg:$0x1] =	wrdreg $0xFFFFFFFF  }
0xad: {  	[dreg:$0x0] =	wrdreg $0x60  }
0xae: {  	[dreg:$0x2] =	wrdreg s24  }
0xaf: {  	[dreg:$0x3] =	wrdreg $0xB0000  }
0xb0: {  	[dreg:$0x4] =	wrdreg $0x60000  }
0xb1: {  	[dreg:$0x5] =	wrdreg $0x9  }
0xb2: {  	_ =	task.clear_ibuf [dreg:s6], $0x6FFFF;
	_ =	strace $0x9000004C  }
0xb3: {  	s29 =	simm.s32 $0x9;
	_ =	strace $0x8000004E  }
0xb4: {  	_ =	swait.ge [sflag:s29], $0x1  }
0xb5: {  	[sflag:s29] =	ssyncadd.s32 $0xFFFFFFFF  }
0xb6: {  	_ =	strace $0x9000004E  }
0xb7: {  	_ =	sfence  }
0xb8: {  	s30 =	sld [smem:$0x0];
	_ =	sdelay $0x2  }
0xb9: {  	s31 =	sshll.u32 s1, $0xD;
	s1 =	sshrl.u32 s1, $0x2  }
0xba: {  	s3 =	sand.u32 $0x4000, s31;
	s1 =	sadd.s32 s1, s30  }
0xbb: {  	s0 =	sor.u32 s3, s0;
	s1 =	sshll.u32 s1, $0x11  }
0xbc: {  	s0 =	sor.u32 s1, s0  }
0xbd: {  	s0 =	sadd.s32 $0x8F2B, s0  }
0xbe: {  	[sflag:s0] =	ssyncadd.remote.s32 $0x1  }
0xbf: {  	_ =	sfence.sel $0xFFFF  }
0xc0: {  	[dreg:$0x0] =	wrdreg $0xFFFFFFFF;
	(pc) =	sbr.abs _section_cstart, $3  }
0xc1: {  	[dreg:$0x1] =	wrdreg $0xFFFFFFFF  }
0xc2: {  	_ =	task.clear_ibuf [dreg:s6], $0x2FFFF;
	_ =	strace $0x9FFFFFFF  }
0xc3: {  	(tm) =	ssettm $0x7FFFFFFF  }
tec
execute0_lowered:
.L_overlay_start_1:
0x0: {  	(tag) =	ssettag $0x1  }
0x1: {  	s5 =	rddreg [dreg:$0x0]  }
0x2: {  	s2 =	rddreg [dreg:$0x1]  }
0x3: {  	s3 =	rddreg [dreg:$0x2]  }
0x4: {  	s0 =	rddreg [dreg:$0x3];
	s6 =	srdreg.scid  }
0x5: {  	s1 =	stileid.u32;
	s4 =	simm.s32 $0x0;
	s15 =	simm.s32 $0x80  }
0x6: {  	s16 =	simm.s32 $0x5000;
	s17 =	simm.s32 $0x1;
	s6 =	sand.u32 $0x1, s6  }
0x7: {  	s7 =	sshll.u32 s1, $0x1;
	[smem:$0x7FF] =	sst s4;
	s8 =	smul.u32 $0x5000, s1  }
0x8: {  	s12 =	sshll.u32 s1, $0x6;
	s7 =	sor.u32 s6, s7;
	_ =	strace $0x8000004D  }
0x9: {  	s9 =	smul.u32 $0xA000, s6;
	s6 =	ssub.s32 $0x2, s6;
	s12 =	sor.u32 $0x1C02, s12  }
0xa: {  	s7 =	smul.u32 $0x500, s7;
	s18 =	sshrl.u32 s8, $0x3;
	s11 =	sshrl.u32 s6, $0x1  }
0xb: {  	s13 =	sadd.s32 s8, s2;
	s14 =	sadd.s32 s8, s3;
	s10 =	sadd.s32 s18, s5  }
0xc: {  	s9 =	sadd.s32 s9, s5;
	s11 =	ssub.s32 s6, s11;
	s13 =	sshrl.u32 s13, $0x3  }
0xd: {  	s14 =	sshrl.u32 s14, $0x3;
	s7 =	sadd.s32 s7, s5;
	s8 =	sadd.s32 $0xD400, s10  }
0xe: {  	s19 =	sadd.s32 $0x3A400, s9;
	s9 =	smax.u32 s11, $0x1;
	s11 =	simm.s32 $0x2800  }
0xf: {  	s5 =	sadd.s32 $0x2B400, s7;
	s6 =	sadd.s32 $0x21400, s7;
	s7 =	sadd.s32 $0x3400, s10  }
0x10: {  	s10 =	simm.s32 $0x2;
	s18 =	sadd.s32 s18, s19;
	s19 =	simm.s32 $0x0  }
.LBB2_1:
0x11: {  	[tilespmem:s4], [sflag:$0x2] =	stream.linear.gather [hbm4b:s5+s4], $0x2800, $0x38;
	[tilespmem:$0x10000] =	vst v63  }
0x12: {  	_ =	swait.ge [sflag:s10], $0x2800  }
0x13: {  	[sflag:s10] =	ssyncset.done $0x0  }
0x14: {  	[sflag:s10] =	ssyncadd.s32 $0xFFFFD800  }
0x15: {  	[tilespmem:s11], [sflag:$0x2] =	stream.linear.gather [hbm4b:s6+s4], $0x2800, $0x38;
	[tilespmem:$0x10000] =	vst v63  }
0x16: {  	_ =	swait.ge [sflag:s10], $0x2800  }
0x17: {  	[sflag:s10] =	ssyncset.done $0x0  }
0x18: {  	[sflag:s10] =	ssyncadd.s32 $0xFFFFD800  }
0x19: {  	[spmem:s13], [sflag:s12] =	dma.local [hbm:s7], $0xA00  }
0x1a: {  	_ =	swait.ge [sflag:s10], $0xA00  }
0x1b: {  	[sflag:s10] =	ssyncset.done $0x0  }
0x1c: {  	[sflag:s10] =	ssyncadd.s32 $0xFFFFF600  }
0x1d: {  	[spmem:s14], [sflag:s12] =	dma.local [hbm:s8], $0xA00  }
0x1e: {  	_ =	swait.ge [sflag:s10], $0xA00  }
0x1f: {  	[sflag:s10] =	ssyncset.done $0x0  }
0x20: {  	[sflag:s10] =	ssyncadd.s32 $0xFFFFF600  }
0x21: {  	s20 =	simm.s32 $0x0;
	[bflag:$0x0] =	sbarrier.arrive $0xFFFF  }
0x22: {  	[tilespmem:s16], [sflag:$0x1] =	stream.indirect.gather [spmem:s2], $0x20, s20, s15, $0xb8;
	[tilespmem:$0x10000] =	vst v63  }
0x23: {  	_ =	swait.ge [sflag:s17], $0x1000  }
0x24: {  	[sflag:s17] =	ssyncset.done $0x0  }
0x25: {  	s31 =	simm.s32 $0x2800;
	[sflag:s17] =	ssyncadd.s32 $0xFFFFF000  }
0x26: {  	[spmem:s3] =	stream.indirect.scatter.add.f32 [tilespmem:s16], [sflag:$0x2], $0x20, s31, s15, $0xb8;
	[tilespmem:$0x10000] =	vst v63  }
0x27: {  	_ =	swait.ge [sflag:s10], $0x1000  }
0x28: {  	s21 =	simm.s32 $0x400;
	s20 =	simm.s32 $0x200;
	[sflag:s10] =	ssyncset.done $0x0  }
.LBB2_2:
0x29: {  	s22 =	sshra.s32 s20, $0x2  }
0x2a: {  	[sflag:s10] =	ssyncadd.s32 $0xFFFFF000;
	s20 =	smov.u32 s21;
	s23 =	sadd.s32 $0x200, s21  }
0x2b: {  	[tilespmem:s16], [sflag:$0x1] =	stream.indirect.gather [spmem:s2], $0x20, s22, s15, $0xb8;
	[tilespmem:$0x10000] =	vst v63  }
0x2c: {  	p0 =	sne.s32 s21, $0x9E00;
	_ =	swait.ge [sflag:s17], $0x1000  }
.Ltmp0:
0x2d: {  	[sflag:s17] =	ssyncset.done $0x0;
	(pc) =	sbr.rel @p0 .LBB2_2-.Ltmp0, $4  }
0x2e: {  	s21 =	sadd.s32 $0x2800, s22;
	[sflag:s17] =	ssyncadd.s32 $0xFFFFF000  }
0x2f: {  	[spmem:s3] =	stream.indirect.scatter.add.f32 [tilespmem:s16], [sflag:$0x2], $0x20, s21, s15, $0xb8;
	[tilespmem:$0x10000] =	vst v63  }
0x30: {  	_ =	swait.ge [sflag:s10], $0x1000  }
0x31: {  	s21 =	smov.u32 s23;
	[sflag:s10] =	ssyncset.done $0x0  }
0x32: {  	s20 =	sshra.s32 s20, $0x2;
	[sflag:s10] =	ssyncadd.s32 $0xFFFFF000  }
0x33: {  	[tilespmem:s16], [sflag:$0x1] =	stream.indirect.gather [spmem:s2], $0x20, s20, s15, $0xb8;
	[tilespmem:$0x10000] =	vst v63  }
0x34: {  	_ =	swait.ge [sflag:s17], $0x1000  }
0x35: {  	[sflag:s17] =	ssyncset.done $0x0  }
0x36: {  	s20 =	sadd.s32 $0x2800, s20;
	[sflag:s17] =	ssyncadd.s32 $0xFFFFF000  }
0x37: {  	[spmem:s3] =	stream.indirect.scatter.add.f32 [tilespmem:s16], [sflag:$0x2], $0x20, s20, s15, $0xb8;
	[tilespmem:$0x10000] =	vst v63  }
0x38: {  	_ =	swait.ge [sflag:s10], $0x1000  }
0x39: {  	s19 =	sadd.s32 $0x1, s19;
	[sflag:s10] =	ssyncset.done $0x0  }
0x3a: {  	p0 =	sne.s32 s19, s9;
	[sflag:s10] =	ssyncadd.s32 $0xFFFFF000  }
.Ltmp1:
0x3b: {  	[bflag:$0x0] =	sbarrier.arrive $0xFFFF;
	(pc) =	sbr.rel @p0 .LBB2_1-.Ltmp1, $4  }
0x3c: {  	[hbm:s18], [sflag:s12] =	dma.local [spmem:s14], $0xA00  }
0x3d: {  	_ =	swait.ge [sflag:s10], $0xA00  }
0x3e: {  	[sflag:s10] =	ssyncset.done $0x0  }
0x3f: {  	[sflag:s10] =	ssyncadd.s32 $0xFFFFF600  }
0x40: {  	_ =	sfence.sel $0x180000  }
0x41: {  	[bflag:$0x0] =	sbarrier.arrive $0xFFFF  }
0x42: {  	p0 =	sne.s32 s1, $0x0;
	_ =	strace $0x9000004D  }
0x43: {  	s0 =	sadd.s32 @!p0 $0x100000, s0;
	[bflag:$0x2] =	sbarrier.arrive $0xFFFF  }
0x44: {  	[sflag:s0] =	ssyncadd.tile.s32 @!p0 $0x1;
	_ =	shalt  }
.Lfunc_end2:
_tile_overlayer_lowered:
.L_overlay_start_2:
0x45: {  	(tag) =	ssettag $0x2  }
0x46: {  	s0 =	rddreg [dreg:$0x0];
	s2 =	stileid.u32  }
0x47: {  	s1 =	rddreg [dreg:$0x1];
	p0 =	sne.s32 s2, $0x0  }
0x48: {  	s3 =	rddreg [dreg:$0x2];
	[bflag:$0x3] =	sbarrier.arrive $0xFFFF;
	s2 =	simm.s32 @!p0 $0x1C02  }
0x49: {  	[timem:s3], [sflag:s2] =	dma.local @!p0 [hbm:s0], s1  }
0x4a: {  	s0 =	simm.s32 @!p0 $0x2  }
0x4b: {  	_ =	swait.ge @!p0 [sflag:s0], s1  }
0x4c: {  	s1 =	ssub.s32 @!p0 $0x0, s1;
	[sflag:s0] =	ssyncset.done @!p0 $0x0  }
0x4d: {  	[sflag:s0] =	ssyncadd.s32 @!p0 s1  }
0x4e: {  	[bflag:$0x3] =	sbarrier.arrive $0xFFFF  }
0x4f: {  	_ =	shalt  }

// kernel: kernel.20.cloned.1.call-start
scs
__scs_entry_jumppad:
0x0: {  	(pc) =	sbr.rel $0x88, $3  }
0x1: {  	(tag) =	ssettag $0x0;
	lr =	simm.s32 $0x1  }
0x2: {  	[smem:$0x3F93] =	sst lr;
	_ =	strace $0xD0000000  }
0x3: {  	_ = 	snop  }
0x4: {  	_ = 	snop  }
0x5: {  	_ = 	snop  }
0x6: {  	_ = 	snop  }
0x7: {  	_ = 	snop  }
__scs_overlays_trampoline_lowered:
0x8: {  	[smem:$0x3FA2] =	sst s0  }
0x9: {  	[smem:$0x3FA3] =	sst s1  }
0xa: {  	[smem:$0x3FA4] =	sst s2  }
0xb: {  	[smem:$0x3FA5] =	sst s3  }
0xc: {  	[smem:$0x3FA6] =	sst s4  }
0xd: {  	[smem:$0x3FA7] =	sst s5  }
0xe: {  	[smem:$0x3FA8] =	sst s6  }
0xf: {  	[smem:$0x3FA9] =	sst s7  }
0x10: {  	[smem:$0x3FAA] =	sst s8  }
0x11: {  	[smem:$0x3FAB] =	sst s9;
	s0 =	simm.s32 @!p0 $0x0  }
0x12: {  	s1 =	sld [smem:$0x3F91];
	s0 =	simm.s32 @p0 $0x1  }
0x13: {  	[smem:$0x3FAC] =	sst s0;
	s0 =	simm.s32 @!p1 $0x0  }
0x14: {  	s2 =	sld [smem:$0x3F90];
	s0 =	simm.s32 @p1 $0x1  }
0x15: {  	[smem:$0x3FAD] =	sst s0;
	s0 =	simm.s32 @!p2 $0x0  }
0x16: {  	s3 =	sld [smem:$0x3FDB];
	s0 =	simm.s32 @p2 $0x1  }
0x17: {  	s4 =	simm.s32 $0x1BF5;
	[smem:$0x3FAF] =	sst s0  }
0x18: {  	s0 =	sld [smem:$0x3F92];
	_ =	swait.ge [sflag:s4], $0x0  }
0x19: {  	s7 =	sld [smem:$0x3F93]  }
0x1a: {  	s8 =	sadd.s32 $0xFFFFE003, lr  }
0x1b: {  	s9 =	sadd.s32 $0xFFFFFEF7, lr;
	s5 =	simm.s32 $0xFFFFFFFF;
	p2 =	slt.u32 s8, $0xFFFFF086  }
0x1c: {  	p1 =	slt.u32 s9, $0xF7A;
	s5 =	simm.s32 @!p2 $0x0  }
0x1d: {  	s5 =	simm.s32 @p1 $0x1;
	p0 =	seq.s32 s7, s2  }
0x1e: {  	s7 =	smul.u32 @!p0 $0xF7A, s2;
	p2 =	seq.s32 @!p0 s5, $0x0  }
0x1f: {  	s9 =	smul.u32 $0xF7A, s1;
	s8 =	simm.s32 @!p0 $0x1BF5;
	p2 =	por !p2, p0  }
0x20: {  	[sflag:s8] =	ssyncset.s32 @!p0 $0xFFFFF086;
	s6 =	sadd.s32 @!p0 s3, s7;
	s7 =	simm.s32 @!p0 $0x108  }
0x21: {  	s3 =	sadd.s32 s3, s9;
	s6 =	sadd.s32 @!p0 $0x88, s6;
	s7 =	simm.s32 @p2 $0x1082  }
0x22: {  	[simem:s7], [sflag:s8] =	dma.local @!p0 [hbm:s6], $0xF7A  }
0x23: {  	s9 =	sor.u32 $0xD0000000, s2;
	s6 =	simm.s32 $0x108;
	_ =	swait.ge @!p0 [sflag:s8], $0x0  }
0x24: {  	s3 =	sadd.s32 $0x88, s3;
	s6 =	simm.s32 @!p1 $0x1082;
	[sflag:s4] =	ssyncset.s32 $0xFFFFF086  }
0x25: {  	[simem:s6], [sflag:s4] =	dma.local [hbm:s3], $0xF7A  }
0x26: {  	[smem:$0x3F93] =	sst s1;
	(tag) =	ssettag s2;
	_ =	strace s9  }
0x27: {  	s1 =	sld [smem:$0x3FA3]  }
0x28: {  	s2 =	sld [smem:$0x3FA4]  }
0x29: {  	s4 =	sld [smem:$0x3FA6]  }
0x2a: {  	p0 =	seq.s32 s5, $0x0;
	s5 =	sld [smem:$0x3FA7]  }
0x2b: {  	s6 =	sld [smem:$0x3FA8]  }
0x2c: {  	s7 =	sld [smem:$0x3FA9]  }
0x2d: {  	s3 =	simm.s32 $0x108;
	s8 =	sld [smem:$0x3FAA]  }
0x2e: {  	s3 =	simm.s32 @!p0 $0x1082;
	s9 =	sld [smem:$0x3FAB]  }
0x2f: {  	lr =	sadd.s32 s0, s3;
	s0 =	sld [smem:$0x3FA2]  }
0x30: {  	s3 =	sld [smem:$0x3FA5]  }
0x31: {  	[smem:$0x3FAE] =	sst s10  }
0x32: {  	s10 =	sld [smem:$0x3FAC];
	_ =	sdelay $0x3  }
0x33: {  	p0 =	seq.s32 s10, $0x1;
	s10 =	sld [smem:$0x3FAE];
	_ =	sdelay $0x3  }
0x34: {  	[smem:$0x3FAE] =	sst s10  }
0x35: {  	s10 =	sld [smem:$0x3FAD];
	_ =	sdelay $0x3  }
0x36: {  	p1 =	seq.s32 s10, $0x1;
	s10 =	sld [smem:$0x3FAE];
	_ =	sdelay $0x3  }
0x37: {  	[smem:$0x3FAE] =	sst s10  }
0x38: {  	s10 =	sld [smem:$0x3FAF]  }
0x39: {  	_ = 	snop;
	(pc) =	sbr.ind lr, $3  }
0x3a: {  	_ = 	snop  }
0x3b: {  	_ = 	snop  }
0x3c: {  	p2 =	seq.s32 s10, $0x1;
	s10 =	sld [smem:$0x3FAE]  }
0x3d: {  	_ =	shalt  }
0x3e: {  	_ =	shalt  }
0x3f: {  	_ =	shalt  }
0x40: {  	_ =	shalt  }
0x41: {  	_ =	shalt  }
0x42: {  	_ =	shalt  }
0x43: {  	_ =	shalt  }
0x44: {  	_ =	shalt  }
0x45: {  	_ =	shalt  }
0x46: {  	_ =	shalt  }
0x47: {  	_ =	shalt  }
0x48: {  	_ =	shalt  }
0x49: {  	_ =	shalt  }
0x4a: {  	_ =	shalt  }
0x4b: {  	_ =	shalt  }
0x4c: {  	_ =	shalt  }
0x4d: {  	_ =	shalt  }
0x4e: {  	_ =	shalt  }
0x4f: {  	_ =	shalt  }
0x50: {  	_ =	shalt  }
0x51: {  	_ =	shalt  }
0x52: {  	_ =	shalt  }
0x53: {  	_ =	shalt  }
0x54: {  	_ =	shalt  }
0x55: {  	_ =	shalt  }
0x56: {  	_ =	shalt  }
0x57: {  	_ =	shalt  }
0x58: {  	_ =	shalt  }
0x59: {  	_ =	shalt  }
0x5a: {  	_ =	shalt  }
0x5b: {  	_ =	shalt  }
0x5c: {  	_ =	shalt  }
0x5d: {  	_ =	shalt  }
0x5e: {  	_ =	shalt  }
0x5f: {  	_ =	shalt  }
0x60: {  	_ =	shalt  }
0x61: {  	_ =	shalt  }
0x62: {  	_ =	shalt  }
0x63: {  	_ =	shalt  }
0x64: {  	_ =	shalt  }
0x65: {  	_ =	shalt  }
0x66: {  	_ =	shalt  }
0x67: {  	_ =	shalt  }
0x68: {  	_ =	shalt  }
0x69: {  	_ =	shalt  }
0x6a: {  	_ =	shalt  }
0x6b: {  	_ =	shalt  }
0x6c: {  	_ =	shalt  }
0x6d: {  	_ =	shalt  }
0x6e: {  	_ =	shalt  }
0x6f: {  	_ =	shalt  }
0x70: {  	_ =	shalt  }
0x71: {  	_ =	shalt  }
0x72: {  	_ =	shalt  }
0x73: {  	_ =	shalt  }
0x74: {  	_ =	shalt  }
0x75: {  	_ =	shalt  }
0x76: {  	_ =	shalt  }
0x77: {  	_ =	shalt  }
0x78: {  	_ =	shalt  }
0x79: {  	_ =	shalt  }
0x7a: {  	_ =	shalt  }
0x7b: {  	_ =	shalt  }
0x7c: {  	_ =	shalt  }
0x7d: {  	_ =	shalt  }
0x7e: {  	_ =	shalt  }
0x7f: {  	_ =	shalt  }
0x80: {  	_ =	shalt  }
0x81: {  	_ =	shalt  }
0x82: {  	_ =	shalt  }
0x83: {  	_ =	shalt  }
0x84: {  	_ =	shalt  }
0x85: {  	_ =	shalt  }
0x86: {  	_ =	shalt  }
0x87: {  	_ =	shalt  }
.Lfunc_end0:
.L_simem_size_0:
called_computation.3_lowered:
.L_overlay_start_0:
0x88: {  	s2 =	sld [smem:$0x3FD9]  }
0x89: {  	s3 =	sld [smem:$0x3FFE];
	_ =	sdelay $0x1  }
0x8a: {  	s1 =	srdreg.scid  }
0x8b: {  	s0 =	sand.u32 $0x1, s1  }
0x8c: {  	s16 =	sshll.u32 s0, $0xA;
	s2 =	sadd.s32 s3, s2  }
0x8d: {  	s2 =	sadd.s32 s2, s16  }
0x8e: {  	[smem:$0x3FBA] =	sst s2  }
0x8f: {  	_ = 	snop  }
0x90: {  	(tm) =	ssettm $0x1  }
0x91: {  	s17 =	sld [smem:$0x3FFB];
	_ =	sdelay $0x3  }
0x92: {  	_ =	strace s17  }
0x93: {  	s2 =	sld [smem:$0x3FFC];
	_ =	sdelay $0x3  }
0x94: {  	_ =	strace s2  }
0x95: {  	s2 =	sld [smem:$0x3FFD];
	_ =	sdelay $0x3  }
0x96: {  	_ =	strace s2  }
0x97: {  	_ =	strace $0x8FFFFFFF  }
0x98: {  	s18 =	sld [smem:$0x3FDB];
	_ =	sdelay $0x1  }
0x99: {  	s19 =	simm.s32 $_scs_section_size  }
0x9a: {  	s4 =	simm.s32 $_size__tile_overlayer_lowered;
	s5 =	simm.s32 $_tile_overlayer_lowered  }
0x9b: {  	s22 =	simm.s32 $0x1BFF;
	s21 =	sshll.u32 s5, $0x1;
	s2 =	sadd.s32 s19, s18  }
0x9c: {  	s6 =	simm.s32 $0x0;
	s20 =	sshll.u32 s4, $0x1;
	s4 =	sadd.s32 s21, s2  }
0x9d: {  	[timem:s6], [sflag:s22] =	dma.local [hbm:s4], s20  }
0x9e: {  	_ =	swait.ge [sflag:s22], s20  }
0x9f: {  	s3 =	ssub.s32 $0x0, s20;
	[sflag:s22] =	ssyncset.done $0x0  }
0xa0: {  	[sflag:s22] =	ssyncadd.s32 s3;
	_ =	sdelay $0x1  }
0xa1: {  	s23 =	simm.s32 $0x1B8B  }
0xa2: {  	_ =	swait.ge [sflag:s23], $0x1  }
0xa3: {  	[sflag:s23] =	ssyncset.done $0x0  }
0xa4: {  	s25 =	simm.s32 $0x1B8E;
	s24 =	sld [smem:$0x3FFE];
	[sflag:s23] =	ssyncadd.s32 $0xFFFFFFFF  }
0xa5: {  	s26 =	simm.s32 $execute0_lowered;
	[smem:$0x3FD2] =	sst s25  }
0xa6: {  	s4 =	sshll.u32 s26, $0x1;
	_ =	strace $0x8000004F;
	[dreg:$0x1] =	wrdreg $0xFFFFFFFF  }
0xa7: {  	s28 =	simm.s32 $_size_execute0_lowered;
	s2 =	sadd.s32 s2, s4;
	[dreg:$0x0] =	wrdreg $0x0  }
0xa8: {  	s4 =	sshll.u32 s28, $0x1;
	[dreg:$0x2] =	wrdreg s2  }
0xa9: {  	[dreg:$0x3] =	wrdreg s4  }
0xaa: {  	[dreg:$0x4] =	wrdreg $0xC0  }
0xab: {  	_ =	task [dreg:s6], $0x5FFFF  }
0xac: {  	[dreg:$0x1] =	wrdreg $0xFFFFFFFF  }
0xad: {  	[dreg:$0x0] =	wrdreg $0x60  }
0xae: {  	[dreg:$0x2] =	wrdreg s24  }
0xaf: {  	[dreg:$0x3] =	wrdreg $0x80000  }
0xb0: {  	[dreg:$0x4] =	wrdreg $0x58000  }
0xb1: {  	[dreg:$0x5] =	wrdreg $0x9  }
0xb2: {  	_ =	task.clear_ibuf [dreg:s6], $0x6FFFF;
	_ =	strace $0x9000004F  }
0xb3: {  	s29 =	simm.s32 $0x9;
	_ =	strace $0x80000051  }
0xb4: {  	_ =	swait.ge [sflag:s29], $0x1  }
0xb5: {  	[sflag:s29] =	ssyncadd.s32 $0xFFFFFFFF  }
0xb6: {  	_ =	strace $0x90000051  }
0xb7: {  	_ =	sfence  }
0xb8: {  	s30 =	sld [smem:$0x0];
	_ =	sdelay $0x2  }
0xb9: {  	s31 =	sshll.u32 s1, $0xD;
	s1 =	sshrl.u32 s1, $0x2  }
0xba: {  	s3 =	sand.u32 $0x4000, s31;
	s1 =	sadd.s32 s1, s30  }
0xbb: {  	s0 =	sor.u32 s3, s0;
	s1 =	sshll.u32 s1, $0x11  }
0xbc: {  	s0 =	sor.u32 s1, s0  }
0xbd: {  	s0 =	sadd.s32 $0x8F2B, s0  }
0xbe: {  	[sflag:s0] =	ssyncadd.remote.s32 $0x1  }
0xbf: {  	_ =	sfence.sel $0xFFFF  }
0xc0: {  	[dreg:$0x0] =	wrdreg $0xFFFFFFFF;
	(pc) =	sbr.abs _section_cstart, $3  }
0xc1: {  	[dreg:$0x1] =	wrdreg $0xFFFFFFFF  }
0xc2: {  	_ =	task.clear_ibuf [dreg:s6], $0x2FFFF;
	_ =	strace $0x9FFFFFFF  }
0xc3: {  	(tm) =	ssettm $0x7FFFFFFF  }
tec
execute0_lowered:
.L_overlay_start_1:
0x0: {  	(tag) =	ssettag $0x1  }
0x1: {  	s5 =	rddreg [dreg:$0x0]  }
0x2: {  	s2 =	rddreg [dreg:$0x1]  }
0x3: {  	s3 =	rddreg [dreg:$0x2]  }
0x4: {  	s0 =	rddreg [dreg:$0x3];
	s6 =	srdreg.scid  }
0x5: {  	s1 =	stileid.u32;
	s4 =	simm.s32 $0x0;
	s15 =	simm.s32 $0x80  }
0x6: {  	s16 =	simm.s32 $0x5000;
	s17 =	simm.s32 $0x1;
	s6 =	sand.u32 $0x1, s6  }
0x7: {  	s7 =	sshll.u32 s1, $0x1;
	[smem:$0x7FF] =	sst s4;
	s8 =	smul.u32 $0x2800, s1  }
0x8: {  	s12 =	sshll.u32 s1, $0x6;
	s7 =	sor.u32 s6, s7;
	_ =	strace $0x80000050  }
0x9: {  	s9 =	smul.u32 $0x5000, s6;
	s6 =	ssub.s32 $0x2, s6;
	s12 =	sor.u32 $0x1C02, s12  }
0xa: {  	s7 =	smul.u32 $0x500, s7;
	s18 =	sshrl.u32 s8, $0x3;
	s11 =	sshrl.u32 s6, $0x1  }
0xb: {  	s13 =	sadd.s32 s8, s2;
	s14 =	sadd.s32 s8, s3;
	s10 =	sadd.s32 s18, s5  }
0xc: {  	s9 =	sadd.s32 s9, s5;
	s11 =	ssub.s32 s6, s11;
	s13 =	sshrl.u32 s13, $0x3  }
0xd: {  	s14 =	sshrl.u32 s14, $0x3;
	s7 =	sadd.s32 s7, s5;
	s8 =	sadd.s32 $0x35400, s10  }
0xe: {  	s19 =	sadd.s32 $0x8400, s9;
	s9 =	smax.u32 s11, $0x1;
	s11 =	simm.s32 $0x2800  }
0xf: {  	s5 =	sadd.s32 $0x2B400, s7;
	s6 =	sadd.s32 $0x21400, s7;
	s7 =	sadd.s32 $0x3400, s10  }
0x10: {  	s10 =	simm.s32 $0x2;
	s18 =	sadd.s32 s18, s19;
	s19 =	simm.s32 $0x0  }
.LBB2_1:
0x11: {  	[tilespmem:s4], [sflag:$0x2] =	stream.linear.gather [hbm4b:s5+s4], $0x2800, $0x38;
	[tilespmem:$0xA800] =	vst v63  }
0x12: {  	_ =	swait.ge [sflag:s10], $0x2800  }
0x13: {  	[sflag:s10] =	ssyncset.done $0x0  }
0x14: {  	[sflag:s10] =	ssyncadd.s32 $0xFFFFD800  }
0x15: {  	[tilespmem:s11], [sflag:$0x2] =	stream.linear.gather [hbm4b:s6+s4], $0x2800, $0x38;
	[tilespmem:$0xA800] =	vst v63  }
0x16: {  	_ =	swait.ge [sflag:s10], $0x2800  }
0x17: {  	[sflag:s10] =	ssyncset.done $0x0  }
0x18: {  	[sflag:s10] =	ssyncadd.s32 $0xFFFFD800  }
0x19: {  	[spmem:s13], [sflag:s12] =	dma.local [hbm:s7], $0x500  }
0x1a: {  	_ =	swait.ge [sflag:s10], $0x500  }
0x1b: {  	[sflag:s10] =	ssyncset.done $0x0  }
0x1c: {  	[sflag:s10] =	ssyncadd.s32 $0xFFFFFB00  }
0x1d: {  	[spmem:s14], [sflag:s12] =	dma.local [hbm:s8], $0x500  }
0x1e: {  	_ =	swait.ge [sflag:s10], $0x500  }
0x1f: {  	[sflag:s10] =	ssyncset.done $0x0  }
0x20: {  	[sflag:s10] =	ssyncadd.s32 $0xFFFFFB00  }
0x21: {  	s20 =	simm.s32 $0x0;
	[bflag:$0x0] =	sbarrier.arrive $0xFFFF  }
0x22: {  	[tilespmem:s16], [sflag:$0x1] =	stream.indirect.gather [spmem:s2], $0x10, s20, s15, $0xb8;
	[tilespmem:$0xA800] =	vst v63  }
0x23: {  	_ =	swait.ge [sflag:s17], $0x800  }
0x24: {  	[sflag:s17] =	ssyncset.done $0x0  }
0x25: {  	s31 =	simm.s32 $0x2800;
	[sflag:s17] =	ssyncadd.s32 $0xFFFFF800  }
0x26: {  	[spmem:s3] =	stream.indirect.scatter.add.f32 [tilespmem:s16], [sflag:$0x2], $0x10, s31, s15, $0xb8;
	[tilespmem:$0xA800] =	vst v63  }
0x27: {  	_ =	swait.ge [sflag:s10], $0x800  }
0x28: {  	s21 =	simm.s32 $0x400;
	s20 =	simm.s32 $0x200;
	[sflag:s10] =	ssyncset.done $0x0  }
.LBB2_2:
0x29: {  	s22 =	sshra.s32 s20, $0x2  }
0x2a: {  	[sflag:s10] =	ssyncadd.s32 $0xFFFFF800;
	s20 =	smov.u32 s21;
	s23 =	sadd.s32 $0x200, s21  }
0x2b: {  	[tilespmem:s16], [sflag:$0x1] =	stream.indirect.gather [spmem:s2], $0x10, s22, s15, $0xb8;
	[tilespmem:$0xA800] =	vst v63  }
0x2c: {  	p0 =	sne.s32 s21, $0x9E00;
	_ =	swait.ge [sflag:s17], $0x800  }
.Ltmp0:
0x2d: {  	[sflag:s17] =	ssyncset.done $0x0;
	(pc) =	sbr.rel @p0 .LBB2_2-.Ltmp0, $4  }
0x2e: {  	s21 =	sadd.s32 $0x2800, s22;
	[sflag:s17] =	ssyncadd.s32 $0xFFFFF800  }
0x2f: {  	[spmem:s3] =	stream.indirect.scatter.add.f32 [tilespmem:s16], [sflag:$0x2], $0x10, s21, s15, $0xb8;
	[tilespmem:$0xA800] =	vst v63  }
0x30: {  	_ =	swait.ge [sflag:s10], $0x800  }
0x31: {  	s21 =	smov.u32 s23;
	[sflag:s10] =	ssyncset.done $0x0  }
0x32: {  	s20 =	sshra.s32 s20, $0x2;
	[sflag:s10] =	ssyncadd.s32 $0xFFFFF800  }
0x33: {  	[tilespmem:s16], [sflag:$0x1] =	stream.indirect.gather [spmem:s2], $0x10, s20, s15, $0xb8;
	[tilespmem:$0xA800] =	vst v63  }
0x34: {  	_ =	swait.ge [sflag:s17], $0x800  }
0x35: {  	[sflag:s17] =	ssyncset.done $0x0  }
0x36: {  	s20 =	sadd.s32 $0x2800, s20;
	[sflag:s17] =	ssyncadd.s32 $0xFFFFF800  }
0x37: {  	[spmem:s3] =	stream.indirect.scatter.add.f32 [tilespmem:s16], [sflag:$0x2], $0x10, s20, s15, $0xb8;
	[tilespmem:$0xA800] =	vst v63  }
0x38: {  	_ =	swait.ge [sflag:s10], $0x800  }
0x39: {  	s19 =	sadd.s32 $0x1, s19;
	[sflag:s10] =	ssyncset.done $0x0  }
0x3a: {  	p0 =	sne.s32 s19, s9;
	[sflag:s10] =	ssyncadd.s32 $0xFFFFF800  }
.Ltmp1:
0x3b: {  	[bflag:$0x0] =	sbarrier.arrive $0xFFFF;
	(pc) =	sbr.rel @p0 .LBB2_1-.Ltmp1, $4  }
0x3c: {  	[hbm:s18], [sflag:s12] =	dma.local [spmem:s14], $0x500  }
0x3d: {  	_ =	swait.ge [sflag:s10], $0x500  }
0x3e: {  	[sflag:s10] =	ssyncset.done $0x0  }
0x3f: {  	[sflag:s10] =	ssyncadd.s32 $0xFFFFFB00  }
0x40: {  	_ =	sfence.sel $0x180000  }
0x41: {  	[bflag:$0x0] =	sbarrier.arrive $0xFFFF  }
0x42: {  	p0 =	sne.s32 s1, $0x0;
	_ =	strace $0x90000050  }
0x43: {  	s0 =	sadd.s32 @!p0 $0x100000, s0;
	[bflag:$0x2] =	sbarrier.arrive $0xFFFF  }
0x44: {  	[sflag:s0] =	ssyncadd.tile.s32 @!p0 $0x1;
	_ =	shalt  }
.Lfunc_end2:
_tile_overlayer_lowered:
.L_overlay_start_2:
0x45: {  	(tag) =	ssettag $0x2  }
0x46: {  	s0 =	rddreg [dreg:$0x0];
	s2 =	stileid.u32  }
0x47: {  	s1 =	rddreg [dreg:$0x1];
	p0 =	sne.s32 s2, $0x0  }
0x48: {  	s3 =	rddreg [dreg:$0x2];
	[bflag:$0x3] =	sbarrier.arrive $0xFFFF;
	s2 =	simm.s32 @!p0 $0x1C02  }
0x49: {  	[timem:s3], [sflag:s2] =	dma.local @!p0 [hbm:s0], s1  }
0x4a: {  	s0 =	simm.s32 @!p0 $0x2  }
0x4b: {  	_ =	swait.ge @!p0 [sflag:s0], s1  }
0x4c: {  	s1 =	ssub.s32 @!p0 $0x0, s1;
	[sflag:s0] =	ssyncset.done @!p0 $0x0  }
0x4d: {  	[sflag:s0] =	ssyncadd.s32 @!p0 s1  }
0x4e: {  	[bflag:$0x3] =	sbarrier.arrive $0xFFFF  }
0x4f: {  	_ =	shalt  }

</sc_bundles>
